<compile_context>
chip_gen: v7x
topology: tpu7x:2x2x1
jax: 0.10.2.dev20260603
libtpu: 0.0.44.dev20260713+nightly
codegen_flags: <defaults>
</compile_context>

<pallas_src>
import functools

import jax
import jax.numpy as jnp
from jax import lax
from jax.experimental import pallas as pl
from jax.experimental.pallas import tpu as pltpu
from jax.experimental.pallas import tpu_sc as plsc

N = 10000
E = 320000
D = 128
H = 128
L = 3

NC = 2
NS = 16
NW = NC * NS
EPT = E // NW
CH = 40
NCH = EPT // CH
NPH = 50
NPHASES = NCH // NPH
RPT = 624
NTAIL = N - NS * RPT

_mesh = plsc.VectorSubcoreMesh(core_axis_name="c", subcore_axis_name="s")


@functools.partial(
    pl.kernel,
    out_type=jax.ShapeDtypeStruct((NC, N, D), jnp.float32),
    mesh=_mesh,
    scratch_types=[
        pltpu.VMEM((NPH, CH), jnp.int32),
        pltpu.VMEM((NPH, CH), jnp.int32),
        pltpu.VMEM((CH, D), jnp.float32),
        pltpu.VMEM((CH, D), jnp.float32),
        pltpu.VMEM_SHARED((N, D), jnp.float32),
        pltpu.SemaphoreType.DMA,
        pltpu.SemaphoreType.DMA,
    ],
)
def _segsum_sc(h_hbm, src_hbm, dst_hbm, zero_hbm, out_hbm,
               src_v, dst_v, rows0, rows1, agg_sh, sem0, sem1):
    c = lax.axis_index("c")
    s = lax.axis_index("s")
    w = c * NS + s
    pltpu.sync_copy(zero_hbm.at[pl.ds(s * RPT, RPT)],
                    agg_sh.at[pl.ds(s * RPT, RPT)])

    @pl.when(s == NS - 1)
    def _():
        pltpu.sync_copy(zero_hbm.at[pl.ds(NS * RPT, NTAIL)],
                        agg_sh.at[pl.ds(NS * RPT, NTAIL)])
    plsc.subcore_barrier()

    @pl.loop(0, NPHASES)
    def _(p):
        pltpu.sync_copy(src_hbm.at[w].at[p], src_v)
        pltpu.sync_copy(dst_hbm.at[w].at[p], dst_v)
        pltpu.async_copy(h_hbm.at[src_v.at[0]], rows0, sem0)

        @pl.loop(0, NPH - 2, step=2)
        def _(j):
            pltpu.async_copy(h_hbm.at[src_v.at[j + 1]], rows1, sem1)
            pltpu.make_async_copy(h_hbm.at[src_v.at[j]], rows0, sem0).wait()
            pltpu.sync_copy(rows0, agg_sh.at[dst_v.at[j]], add=True)
            pltpu.async_copy(h_hbm.at[src_v.at[j + 2]], rows0, sem0)
            pltpu.make_async_copy(h_hbm.at[src_v.at[j + 1]], rows1, sem1).wait()
            pltpu.sync_copy(rows1, agg_sh.at[dst_v.at[j + 1]], add=True)

        pltpu.async_copy(h_hbm.at[src_v.at[NPH - 1]], rows1, sem1)
        pltpu.make_async_copy(h_hbm.at[src_v.at[NPH - 2]], rows0, sem0).wait()
        pltpu.sync_copy(rows0, agg_sh.at[dst_v.at[NPH - 2]], add=True)
        pltpu.make_async_copy(h_hbm.at[src_v.at[NPH - 1]], rows1, sem1).wait()
        pltpu.sync_copy(rows1, agg_sh.at[dst_v.at[NPH - 1]], add=True)

    plsc.subcore_barrier()
    pltpu.sync_copy(agg_sh.at[pl.ds(s * RPT, RPT)],
                    out_hbm.at[c].at[pl.ds(s * RPT, RPT)])

    @pl.when(s == NS - 1)
    def _():
        pltpu.sync_copy(agg_sh.at[pl.ds(NS * RPT, NTAIL)],
                        out_hbm.at[c].at[pl.ds(NS * RPT, NTAIL)])


def _mm(a, b):
    return jnp.dot(a.astype(jnp.bfloat16), b.astype(jnp.bfloat16),
                   preferred_element_type=jnp.float32)


def _bn_relu(z, g, b):
    m = jnp.mean(z, axis=0, keepdims=True)
    zc = z - m
    v = jnp.mean(zc * zc, axis=0, keepdims=True)
    return jnp.maximum(zc / jnp.sqrt(v + 1e-5) * g + b, 0.0)


def _layer_body(h_ref, agg_ref, sc_ref, w1_ref, b1_ref, w2_ref, b2_ref,
                g_ref, be_ref, o_ref):
    z = h_ref[...] * sc_ref[...] + (agg_ref[0] + agg_ref[1])
    z = jnp.maximum(_mm(z, w1_ref[...]) + b1_ref[...], 0.0)
    z = _mm(z, w2_ref[...]) + b2_ref[...]
    o_ref[...] = _bn_relu(z, g_ref[...], be_ref[...])


_layer_call = pl.pallas_call(
    _layer_body, out_shape=jax.ShapeDtypeStruct((N, H), jnp.float32))


def _last_body(h_ref, agg_ref, sc_ref, w1_ref, b1_ref, w2_ref, b2_ref,
               g_ref, be_ref,
               wc0_ref, bc0_ref, gc0_ref, bec0_ref,
               wc1_ref, bc1_ref, gc1_ref, bec1_ref,
               wc2_ref, bc2_ref, o_ref):
    z = h_ref[...] * sc_ref[...] + (agg_ref[0] + agg_ref[1])
    z = jnp.maximum(_mm(z, w1_ref[...]) + b1_ref[...], 0.0)
    z = _mm(z, w2_ref[...]) + b2_ref[...]
    h = _bn_relu(z, g_ref[...], be_ref[...])
    h = _bn_relu(_mm(h, wc0_ref[...]) + bc0_ref[...],
                 gc0_ref[...], bec0_ref[...])
    h = _bn_relu(_mm(h, wc1_ref[...]) + bc1_ref[...],
                 gc1_ref[...], bec1_ref[...])
    o_ref[...] = _mm(h, wc2_ref[...]) + bc2_ref[...]


_last_call = pl.pallas_call(
    _last_body, out_shape=jax.ShapeDtypeStruct((N, 3), jnp.float32))


def kernel(x, edge_index, params):
    sdst, ssrc = lax.sort((edge_index[1], edge_index[0]),
                          num_keys=1, is_stable=True)
    src3 = ssrc.reshape(NW, NPHASES, NPH, CH)
    dst3 = sdst.reshape(NW, NPHASES, NPH, CH)
    zeros = jnp.zeros((N, D), jnp.float32)
    h = x
    for i in range(L):
        agg2 = _segsum_sc(h, src3, dst3, zeros)
        sc = (1.0 + params['eps%d' % i]).reshape(1, 1)
        mlp = (sc, params['W1_%d' % i], params['b1_%d' % i].reshape(1, H),
               params['W2_%d' % i], params['b2_%d' % i].reshape(1, H),
               params['g%d' % i].reshape(1, H), params['be%d' % i].reshape(1, H))
        if i < L - 1:
            h = _layer_call(h, agg2, *mlp)
        else:
            logits = _last_call(
                h, agg2, *mlp,
                params['Wc0'], params['bc0'].reshape(1, H),
                params['gc0'].reshape(1, H), params['bec0'].reshape(1, H),
                params['Wc1'], params['bc1'].reshape(1, H),
                params['gc1'].reshape(1, H), params['bec1'].reshape(1, H),
                params['Wc2'], params['bc2'].reshape(1, 3))
    return logits

# --- scband reference (transcript-rebuilt; emitter-appended) ---
"""Pipeline reference for scband-gin-10917806866951 (READ-ONLY COPY).

The authoritative reference and input builder live on the scoring server;
editing this copy changes nothing except your own understanding.
"""

import jax, jax.numpy as jnp
import numpy as np

N = 10000
E = 320000
D = 128
H = 128
L = 3

def _bn(z, g, b):
    m = jnp.mean(z, axis=0)
    v = jnp.var(z, axis=0)
    return (z - m) / jnp.sqrt(v + 1e-5) * g + b

def setup_inputs(seed: int = 0):
    key = jax.random.key(seed)
    ks = jax.random.split(key, 32)
    x = jax.random.normal(ks[0], (N, D), dtype=jnp.float32)
    edge_index = jax.random.randint(ks[1], (2, E), 0, N, dtype=jnp.int32)
    params = {}
    k = 2
    for i in range(L):
        ind = D if i == 0 else H
        params['eps%d' % i] = jnp.zeros((), jnp.float32)
        params['W1_%d' % i] = jax.random.normal(ks[k], (ind, H), dtype=jnp.float32) / np.sqrt(ind); k += 1
        params['b1_%d' % i] = jnp.zeros((H,), jnp.float32)
        params['W2_%d' % i] = jax.random.normal(ks[k], (H, H), dtype=jnp.float32) / np.sqrt(H); k += 1
        params['b2_%d' % i] = jnp.zeros((H,), jnp.float32)
        params['g%d' % i] = jnp.ones((H,), jnp.float32)
        params['be%d' % i] = jnp.zeros((H,), jnp.float32)
    dims = [H, H, H, 3]
    for j in range(3):
        params['Wc%d' % j] = jax.random.normal(ks[k], (dims[j], dims[j + 1]), dtype=jnp.float32) / np.sqrt(dims[j]); k += 1
        params['bc%d' % j] = jnp.zeros((dims[j + 1],), jnp.float32)
        if j < 2:
            params['gc%d' % j] = jnp.ones((dims[j + 1],), jnp.float32)
            params['bec%d' % j] = jnp.zeros((dims[j + 1],), jnp.float32)
    return {'x': x, 'edge_index': edge_index, 'params': params}

def reference(x, edge_index, params):
    src = edge_index[0]
    dst = edge_index[1]
    h = x
    for i in range(L):
        agg = jax.ops.segment_sum(h[src], dst, num_segments=N)
        z = (1.0 + params['eps%d' % i]) * h + agg
        z = jax.nn.relu(z @ params['W1_%d' % i] + params['b1_%d' % i]) @ params['W2_%d' % i] + params['b2_%d' % i]
        z = _bn(z, params['g%d' % i], params['be%d' % i])
        h = jax.nn.relu(z)
    for j in range(2):
        h = jax.nn.relu(_bn(h @ params['Wc%d' % j] + params['bc%d' % j], params['gc%d' % j], params['bec%d' % j]))
    logits = h @ params['Wc2'] + params['bc2']
    return logits

if __name__ == "__main__":
    import jax
    _d = setup_inputs()
    print(jax.jit(kernel)(*tuple(_d.values())))

</pallas_src>

<mosaic_0001>
#map = affine_map<(d0, d1) -> (0, 0)>
#map1 = affine_map<(d0, d1) -> (0, 0, 0, 0)>
#map2 = affine_map<(d0, d1) -> (0, 0, 0)>
module attributes {stable_mosaic.version = 14 : i64} {
  func.func @_segsum_sc(%arg0: i32, %arg1: i32, %arg2: memref<10000x128xf32, #tpu.memory_space<hbm>>, %arg3: memref<32x5x50x40xi32, #tpu.memory_space<hbm>>, %arg4: memref<32x5x50x40xi32, #tpu.memory_space<hbm>>, %arg5: memref<10000x128xf32, #tpu.memory_space<hbm>>, %arg6: memref<2x10000x128xf32, #tpu.memory_space<hbm>>, %arg7: memref<50x40xi32, #tpu.memory_space<vmem>>, %arg8: memref<50x40xi32, #tpu.memory_space<vmem>>, %arg9: memref<40x128xf32, #tpu.memory_space<vmem>>, %arg10: memref<40x128xf32, #tpu.memory_space<vmem>>, %arg11: memref<10000x128xf32, #tpu.memory_space<vmem_shared>>, %arg12: memref<!tpu.dma_semaphore, #tpu.memory_space<semaphore_mem>>, %arg13: memref<!tpu.dma_semaphore, #tpu.memory_space<semaphore_mem>>) attributes {dimension_semantics = [#tpu.dimension_semantics<core_parallel>, #tpu.dimension_semantics<subcore_parallel>], iteration_bounds = array<i64: 2, 16>, scalar_prefetch = 0 : i64, scratch_operands = 7 : i64, tpu.core_type = #tpu.core_type<sc_vector_subcore>, window_params = [{transform_indices = #map}, {transform_indices = #map1}, {transform_indices = #map1}, {transform_indices = #map}, {transform_indices = #map2}]} {
    %mul3A = arith.constant 16 : i32
    %mul3A_0 = arith.muli %arg0, %mul3A : i32
    %add3A = arith.addi %mul3A_0, %arg1 : i32
    %mul3A_1 = arith.constant 624 : i32
    %mul3A_2 = arith.muli %arg1, %mul3A_1 : i32
    %mul3A_3 = arith.constant 624 : i32
    %mul3A_4 = arith.muli %arg1, %mul3A_3 : i32
    "tpu.region"() ({
      %run_scoped3A = tpu.sem_alloc : memref<!tpu.dma_semaphore, #tpu.memory_space<semaphore_mem>>
      %dma_start3A = arith.constant 0 : i32
      %dma_start3A_21 = tpu.memref_slice %arg11[%mul3A_4, %dma_start3A] : memref<10000x128xf32, #tpu.memory_space<vmem_shared>> -> memref<624x128xf32, #tpu.memory_space<vmem_shared>>
      %dma_start3A_22 = arith.constant 0 : i32
      %dma_start3A_23 = tpu.memref_slice %arg5[%mul3A_2, %dma_start3A_22] : memref<10000x128xf32, #tpu.memory_space<hbm>> -> memref<624x128xf32, #tpu.memory_space<hbm>>
      tpu.enqueue_dma source(%dma_start3A_23 : memref<624x128xf32, #tpu.memory_space<hbm>>) target(%dma_start3A_21 : memref<624x128xf32, #tpu.memory_space<vmem_shared>>) target_semaphore(%run_scoped3A : memref<!tpu.dma_semaphore, #tpu.memory_space<semaphore_mem>>)
      %dma_wait3A = arith.constant 0 : i32
      %dma_wait3A_24 = tpu.memref_slice %arg11[%mul3A_4, %dma_wait3A] : memref<10000x128xf32, #tpu.memory_space<vmem_shared>> -> memref<624x128xf32, #tpu.memory_space<vmem_shared>>
      %dma_wait3A_25 = arith.constant 0 : i32
      %dma_wait3A_26 = tpu.memref_slice %arg5[%mul3A_2, %dma_wait3A_25] : memref<10000x128xf32, #tpu.memory_space<hbm>> -> memref<624x128xf32, #tpu.memory_space<hbm>>
      tpu.wait_dma2 semaphore(%run_scoped3A : memref<!tpu.dma_semaphore, #tpu.memory_space<semaphore_mem>>) src(%dma_wait3A_26 : memref<624x128xf32, #tpu.memory_space<hbm>>) dst(%dma_wait3A_24 : memref<624x128xf32, #tpu.memory_space<vmem_shared>>)
      tpu.yield
    }) : () -> ()
    %eq3A = arith.constant 15 : i32
    %eq3A_5 = arith.cmpi eq, %arg1, %eq3A : i32
    %convert_element_type3A = arith.extui %eq3A_5 : i1 to i32
    %cond3A = arith.constant 0 : i32
    %cond3A_6 = arith.cmpi ne, %convert_element_type3A, %cond3A : i32
    scf.if %cond3A_6 {
      "tpu.region"() ({
        %run_scoped3A = tpu.sem_alloc : memref<!tpu.dma_semaphore, #tpu.memory_space<semaphore_mem>>
        %dma_start3A = arith.constant 9984 : i32
        %dma_start3A_21 = arith.constant 0 : i32
        %dma_start3A_22 = tpu.memref_slice %arg11[%dma_start3A, %dma_start3A_21] : memref<10000x128xf32, #tpu.memory_space<vmem_shared>> -> memref<16x128xf32, #tpu.memory_space<vmem_shared>>
        %dma_start3A_23 = arith.constant 9984 : i32
        %dma_start3A_24 = arith.constant 0 : i32
        %dma_start3A_25 = tpu.memref_slice %arg5[%dma_start3A_23, %dma_start3A_24] : memref<10000x128xf32, #tpu.memory_space<hbm>> -> memref<16x128xf32, #tpu.memory_space<hbm>>
        tpu.enqueue_dma source(%dma_start3A_25 : memref<16x128xf32, #tpu.memory_space<hbm>>) target(%dma_start3A_22 : memref<16x128xf32, #tpu.memory_space<vmem_shared>>) target_semaphore(%run_scoped3A : memref<!tpu.dma_semaphore, #tpu.memory_space<semaphore_mem>>)
        %dma_wait3A = arith.constant 9984 : i32
        %dma_wait3A_26 = arith.constant 0 : i32
        %dma_wait3A_27 = tpu.memref_slice %arg11[%dma_wait3A, %dma_wait3A_26] : memref<10000x128xf32, #tpu.memory_space<vmem_shared>> -> memref<16x128xf32, #tpu.memory_space<vmem_shared>>
        %dma_wait3A_28 = arith.constant 9984 : i32
        %dma_wait3A_29 = arith.constant 0 : i32
        %dma_wait3A_30 = tpu.memref_slice %arg5[%dma_wait3A_28, %dma_wait3A_29] : memref<10000x128xf32, #tpu.memory_space<hbm>> -> memref<16x128xf32, #tpu.memory_space<hbm>>
        tpu.wait_dma2 semaphore(%run_scoped3A : memref<!tpu.dma_semaphore, #tpu.memory_space<semaphore_mem>>) src(%dma_wait3A_30 : memref<16x128xf32, #tpu.memory_space<hbm>>) dst(%dma_wait3A_27 : memref<16x128xf32, #tpu.memory_space<vmem_shared>>)
        tpu.yield
      }) : () -> ()
    } else {
    }
    %barrier3A = arith.constant 0 : index
    tpu.barrier barrier_id(%barrier3A)
    %scan3A = arith.constant 0 : i32
    %scan3A_7 = arith.constant 5 : i32
    %scan3A_8 = arith.addi %scan3A, %scan3A_7 : i32
    %scan3A_9 = arith.constant 1 : i32
    scf.for %scan3A_21 = %scan3A to %scan3A_8 step %scan3A_9  : i32 {
      %mul3A_22 = arith.constant 1 : i32
      %mul3A_23 = arith.muli %scan3A_21, %mul3A_22 : i32
      %add3A_24 = arith.constant 0 : i32
      %add3A_25 = arith.addi %add3A_24, %mul3A_23 : i32
      "tpu.region"() ({
        %run_scoped3A_58 = tpu.sem_alloc : memref<!tpu.dma_semaphore, #tpu.memory_space<semaphore_mem>>
        %dma_start3A_59 = arith.constant 0 : i32
        %dma_start3A_60 = arith.constant 0 : i32
        %dma_start3A_61 = arith.constant 0 : i32
        %dma_start3A_62 = tpu.memref_slice %arg3[%add3A, %dma_start3A_59, %dma_start3A_60, %dma_start3A_61] : memref<32x5x50x40xi32, #tpu.memory_space<hbm>> -> memref<1x5x50x40xi32, #tpu.memory_space<hbm>>
        %dma_start3A_63 = tpu.memref_squeeze %dma_start3A_62 : memref<1x5x50x40xi32, #tpu.memory_space<hbm>> -> memref<5x50x40xi32, #tpu.memory_space<hbm>>
        %dma_start3A_64 = arith.constant 0 : i32
        %dma_start3A_65 = arith.constant 0 : i32
        %dma_start3A_66 = tpu.memref_slice %dma_start3A_63[%add3A_25, %dma_start3A_64, %dma_start3A_65] : memref<5x50x40xi32, #tpu.memory_space<hbm>> -> memref<1x50x40xi32, #tpu.memory_space<hbm>>
        %dma_start3A_67 = tpu.memref_squeeze %dma_start3A_66 : memref<1x50x40xi32, #tpu.memory_space<hbm>> -> memref<50x40xi32, #tpu.memory_space<hbm>>
        %dma_start3A_68 = arith.constant 0 : i32
        %dma_start3A_69 = arith.constant 0 : i32
        %dma_start3A_70 = arith.constant 0 : i32
        %dma_start3A_71 = tpu.memref_slice %arg3[%add3A, %dma_start3A_68, %dma_start3A_69, %dma_start3A_70] : memref<32x5x50x40xi32, #tpu.memory_space<hbm>> -> memref<1x5x50x40xi32, #tpu.memory_space<hbm>>
        %dma_start3A_72 = tpu.memref_squeeze %dma_start3A_71 : memref<1x5x50x40xi32, #tpu.memory_space<hbm>> -> memref<5x50x40xi32, #tpu.memory_space<hbm>>
        %dma_start3A_73 = arith.constant 0 : i32
        %dma_start3A_74 = arith.constant 0 : i32
        %dma_start3A_75 = tpu.memref_slice %dma_start3A_72[%add3A_25, %dma_start3A_73, %dma_start3A_74] : memref<5x50x40xi32, #tpu.memory_space<hbm>> -> memref<1x50x40xi32, #tpu.memory_space<hbm>>
        %dma_start3A_76 = tpu.memref_squeeze %dma_start3A_75 : memref<1x50x40xi32, #tpu.memory_space<hbm>> -> memref<50x40xi32, #tpu.memory_space<hbm>>
        tpu.enqueue_dma source(%dma_start3A_76 : memref<50x40xi32, #tpu.memory_space<hbm>>) target(%arg7 : memref<50x40xi32, #tpu.memory_space<vmem>>) target_semaphore(%run_scoped3A_58 : memref<!tpu.dma_semaphore, #tpu.memory_space<semaphore_mem>>)
        %dma_wait3A_77 = arith.constant 0 : i32
        %dma_wait3A_78 = arith.constant 0 : i32
        %dma_wait3A_79 = arith.constant 0 : i32
        %dma_wait3A_80 = tpu.memref_slice %arg3[%add3A, %dma_wait3A_77, %dma_wait3A_78, %dma_wait3A_79] : memref<32x5x50x40xi32, #tpu.memory_space<hbm>> -> memref<1x5x50x40xi32, #tpu.memory_space<hbm>>
        %dma_wait3A_81 = tpu.memref_squeeze %dma_wait3A_80 : memref<1x5x50x40xi32, #tpu.memory_space<hbm>> -> memref<5x50x40xi32, #tpu.memory_space<hbm>>
        %dma_wait3A_82 = arith.constant 0 : i32
        %dma_wait3A_83 = arith.constant 0 : i32
        %dma_wait3A_84 = tpu.memref_slice %dma_wait3A_81[%add3A_25, %dma_wait3A_82, %dma_wait3A_83] : memref<5x50x40xi32, #tpu.memory_space<hbm>> -> memref<1x50x40xi32, #tpu.memory_space<hbm>>
        %dma_wait3A_85 = tpu.memref_squeeze %dma_wait3A_84 : memref<1x50x40xi32, #tpu.memory_space<hbm>> -> memref<50x40xi32, #tpu.memory_space<hbm>>
        %dma_wait3A_86 = arith.constant 0 : i32
        %dma_wait3A_87 = arith.constant 0 : i32
        %dma_wait3A_88 = arith.constant 0 : i32
        %dma_wait3A_89 = tpu.memref_slice %arg3[%add3A, %dma_wait3A_86, %dma_wait3A_87, %dma_wait3A_88] : memref<32x5x50x40xi32, #tpu.memory_space<hbm>> -> memref<1x5x50x40xi32, #tpu.memory_space<hbm>>
        %dma_wait3A_90 = tpu.memref_squeeze %dma_wait3A_89 : memref<1x5x50x40xi32, #tpu.memory_space<hbm>> -> memref<5x50x40xi32, #tpu.memory_space<hbm>>
        %dma_wait3A_91 = arith.constant 0 : i32
        %dma_wait3A_92 = arith.constant 0 : i32
        %dma_wait3A_93 = tpu.memref_slice %dma_wait3A_90[%add3A_25, %dma_wait3A_91, %dma_wait3A_92] : memref<5x50x40xi32, #tpu.memory_space<hbm>> -> memref<1x50x40xi32, #tpu.memory_space<hbm>>
        %dma_wait3A_94 = tpu.memref_squeeze %dma_wait3A_93 : memref<1x50x40xi32, #tpu.memory_space<hbm>> -> memref<50x40xi32, #tpu.memory_space<hbm>>
        tpu.wait_dma2 semaphore(%run_scoped3A_58 : memref<!tpu.dma_semaphore, #tpu.memory_space<semaphore_mem>>) src(%dma_wait3A_94 : memref<50x40xi32, #tpu.memory_space<hbm>>) dst(%arg7 : memref<50x40xi32, #tpu.memory_space<vmem>>)
        tpu.yield
      }) : () -> ()
      "tpu.region"() ({
        %run_scoped3A_58 = tpu.sem_alloc : memref<!tpu.dma_semaphore, #tpu.memory_space<semaphore_mem>>
        %dma_start3A_59 = arith.constant 0 : i32
        %dma_start3A_60 = arith.constant 0 : i32
        %dma_start3A_61 = arith.constant 0 : i32
        %dma_start3A_62 = tpu.memref_slice %arg4[%add3A, %dma_start3A_59, %dma_start3A_60, %dma_start3A_61] : memref<32x5x50x40xi32, #tpu.memory_space<hbm>> -> memref<1x5x50x40xi32, #tpu.memory_space<hbm>>
        %dma_start3A_63 = tpu.memref_squeeze %dma_start3A_62 : memref<1x5x50x40xi32, #tpu.memory_space<hbm>> -> memref<5x50x40xi32, #tpu.memory_space<hbm>>
        %dma_start3A_64 = arith.constant 0 : i32
        %dma_start3A_65 = arith.constant 0 : i32
        %dma_start3A_66 = tpu.memref_slice %dma_start3A_63[%add3A_25, %dma_start3A_64, %dma_start3A_65] : memref<5x50x40xi32, #tpu.memory_space<hbm>> -> memref<1x50x40xi32, #tpu.memory_space<hbm>>
        %dma_start3A_67 = tpu.memref_squeeze %dma_start3A_66 : memref<1x50x40xi32, #tpu.memory_space<hbm>> -> memref<50x40xi32, #tpu.memory_space<hbm>>
        %dma_start3A_68 = arith.constant 0 : i32
        %dma_start3A_69 = arith.constant 0 : i32
        %dma_start3A_70 = arith.constant 0 : i32
        %dma_start3A_71 = tpu.memref_slice %arg4[%add3A, %dma_start3A_68, %dma_start3A_69, %dma_start3A_70] : memref<32x5x50x40xi32, #tpu.memory_space<hbm>> -> memref<1x5x50x40xi32, #tpu.memory_space<hbm>>
        %dma_start3A_72 = tpu.memref_squeeze %dma_start3A_71 : memref<1x5x50x40xi32, #tpu.memory_space<hbm>> -> memref<5x50x40xi32, #tpu.memory_space<hbm>>
        %dma_start3A_73 = arith.constant 0 : i32
        %dma_start3A_74 = arith.constant 0 : i32
        %dma_start3A_75 = tpu.memref_slice %dma_start3A_72[%add3A_25, %dma_start3A_73, %dma_start3A_74] : memref<5x50x40xi32, #tpu.memory_space<hbm>> -> memref<1x50x40xi32, #tpu.memory_space<hbm>>
        %dma_start3A_76 = tpu.memref_squeeze %dma_start3A_75 : memref<1x50x40xi32, #tpu.memory_space<hbm>> -> memref<50x40xi32, #tpu.memory_space<hbm>>
        tpu.enqueue_dma source(%dma_start3A_76 : memref<50x40xi32, #tpu.memory_space<hbm>>) target(%arg8 : memref<50x40xi32, #tpu.memory_space<vmem>>) target_semaphore(%run_scoped3A_58 : memref<!tpu.dma_semaphore, #tpu.memory_space<semaphore_mem>>)
        %dma_wait3A_77 = arith.constant 0 : i32
        %dma_wait3A_78 = arith.constant 0 : i32
        %dma_wait3A_79 = arith.constant 0 : i32
        %dma_wait3A_80 = tpu.memref_slice %arg4[%add3A, %dma_wait3A_77, %dma_wait3A_78, %dma_wait3A_79] : memref<32x5x50x40xi32, #tpu.memory_space<hbm>> -> memref<1x5x50x40xi32, #tpu.memory_space<hbm>>
        %dma_wait3A_81 = tpu.memref_squeeze %dma_wait3A_80 : memref<1x5x50x40xi32, #tpu.memory_space<hbm>> -> memref<5x50x40xi32, #tpu.memory_space<hbm>>
        %dma_wait3A_82 = arith.constant 0 : i32
        %dma_wait3A_83 = arith.constant 0 : i32
        %dma_wait3A_84 = tpu.memref_slice %dma_wait3A_81[%add3A_25, %dma_wait3A_82, %dma_wait3A_83] : memref<5x50x40xi32, #tpu.memory_space<hbm>> -> memref<1x50x40xi32, #tpu.memory_space<hbm>>
        %dma_wait3A_85 = tpu.memref_squeeze %dma_wait3A_84 : memref<1x50x40xi32, #tpu.memory_space<hbm>> -> memref<50x40xi32, #tpu.memory_space<hbm>>
        %dma_wait3A_86 = arith.constant 0 : i32
        %dma_wait3A_87 = arith.constant 0 : i32
        %dma_wait3A_88 = arith.constant 0 : i32
        %dma_wait3A_89 = tpu.memref_slice %arg4[%add3A, %dma_wait3A_86, %dma_wait3A_87, %dma_wait3A_88] : memref<32x5x50x40xi32, #tpu.memory_space<hbm>> -> memref<1x5x50x40xi32, #tpu.memory_space<hbm>>
        %dma_wait3A_90 = tpu.memref_squeeze %dma_wait3A_89 : memref<1x5x50x40xi32, #tpu.memory_space<hbm>> -> memref<5x50x40xi32, #tpu.memory_space<hbm>>
        %dma_wait3A_91 = arith.constant 0 : i32
        %dma_wait3A_92 = arith.constant 0 : i32
        %dma_wait3A_93 = tpu.memref_slice %dma_wait3A_90[%add3A_25, %dma_wait3A_91, %dma_wait3A_92] : memref<5x50x40xi32, #tpu.memory_space<hbm>> -> memref<1x50x40xi32, #tpu.memory_space<hbm>>
        %dma_wait3A_94 = tpu.memref_squeeze %dma_wait3A_93 : memref<1x50x40xi32, #tpu.memory_space<hbm>> -> memref<50x40xi32, #tpu.memory_space<hbm>>
        tpu.wait_dma2 semaphore(%run_scoped3A_58 : memref<!tpu.dma_semaphore, #tpu.memory_space<semaphore_mem>>) src(%dma_wait3A_94 : memref<50x40xi32, #tpu.memory_space<hbm>>) dst(%arg8 : memref<50x40xi32, #tpu.memory_space<vmem>>)
        tpu.yield
      }) : () -> ()
      %dma_start3A = arith.constant 0 : i32
      %dma_start3A_26 = arith.constant 0 : i32
      %dma_start3A_27 = tpu.memref_slice %arg7[%dma_start3A, %dma_start3A_26] : memref<50x40xi32, #tpu.memory_space<vmem>> -> memref<1x40xi32, #tpu.memory_space<vmem>>
      %dma_start3A_28 = tpu.memref_squeeze %dma_start3A_27 : memref<1x40xi32, #tpu.memory_space<vmem>> -> memref<40xi32, #tpu.memory_space<vmem>>
      %dma_start3A_29 = arith.constant 0 : i32
      %dma_start3A_30 = arith.constant 0 : i32
      %dma_start3A_31 = tpu.memref_slice %arg2[%dma_start3A_29, %dma_start3A_30] : memref<10000x128xf32, #tpu.memory_space<hbm>> -> memref<10000x128xf32, #tpu.memory_space<hbm>>
      tpu.enqueue_indirect_dma source(%dma_start3A_31 : memref<10000x128xf32, #tpu.memory_space<hbm>>) target(%arg9 : memref<40x128xf32, #tpu.memory_space<vmem>>) offsets(%dma_start3A_28 : memref<40xi32, #tpu.memory_space<vmem>>) semaphore(%arg12 : memref<!tpu.dma_semaphore, #tpu.memory_space<semaphore_mem>>)
      %scan3A_32 = arith.constant 0 : i32
      %scan3A_33 = arith.constant 24 : i32
      %scan3A_34 = arith.addi %scan3A_32, %scan3A_33 : i32
      %scan3A_35 = arith.constant 1 : i32
      scf.for %scan3A_58 = %scan3A_32 to %scan3A_34 step %scan3A_35  : i32 {
        %mul3A_59 = arith.constant 2 : i32
        %mul3A_60 = arith.muli %scan3A_58, %mul3A_59 : i32
        %add3A_61 = arith.constant 0 : i32
        %add3A_62 = arith.addi %add3A_61, %mul3A_60 : i32
        %add3A_63 = arith.constant 1 : i32
        %add3A_64 = arith.addi %add3A_62, %add3A_63 : i32
        %dma_start3A_65 = arith.constant 0 : i32
        %dma_start3A_66 = tpu.memref_slice %arg7[%add3A_64, %dma_start3A_65] : memref<50x40xi32, #tpu.memory_space<vmem>> -> memref<1x40xi32, #tpu.memory_space<vmem>>
        %dma_start3A_67 = tpu.memref_squeeze %dma_start3A_66 : memref<1x40xi32, #tpu.memory_space<vmem>> -> memref<40xi32, #tpu.memory_space<vmem>>
        %dma_start3A_68 = arith.constant 0 : i32
        %dma_start3A_69 = arith.constant 0 : i32
        %dma_start3A_70 = tpu.memref_slice %arg2[%dma_start3A_68, %dma_start3A_69] : memref<10000x128xf32, #tpu.memory_space<hbm>> -> memref<10000x128xf32, #tpu.memory_space<hbm>>
        tpu.enqueue_indirect_dma source(%dma_start3A_70 : memref<10000x128xf32, #tpu.memory_space<hbm>>) target(%arg10 : memref<40x128xf32, #tpu.memory_space<vmem>>) offsets(%dma_start3A_67 : memref<40xi32, #tpu.memory_space<vmem>>) semaphore(%arg13 : memref<!tpu.dma_semaphore, #tpu.memory_space<semaphore_mem>>)
        %dma_wait3A_71 = arith.constant 0 : i32
        %dma_wait3A_72 = tpu.memref_slice %arg7[%add3A_62, %dma_wait3A_71] : memref<50x40xi32, #tpu.memory_space<vmem>> -> memref<1x40xi32, #tpu.memory_space<vmem>>
        %dma_wait3A_73 = tpu.memref_squeeze %dma_wait3A_72 : memref<1x40xi32, #tpu.memory_space<vmem>> -> memref<40xi32, #tpu.memory_space<vmem>>
        %dma_wait3A_74 = arith.constant 0 : i32
        %dma_wait3A_75 = arith.constant 0 : i32
        %dma_wait3A_76 = tpu.memref_slice %arg2[%dma_wait3A_74, %dma_wait3A_75] : memref<10000x128xf32, #tpu.memory_space<hbm>> -> memref<10000x128xf32, #tpu.memory_space<hbm>>
        tpu.wait_indirect_dma semaphore(%arg12 : memref<!tpu.dma_semaphore, #tpu.memory_space<semaphore_mem>>) src(%dma_wait3A_76 : memref<10000x128xf32, #tpu.memory_space<hbm>>) dst(%arg9 : memref<40x128xf32, #tpu.memory_space<vmem>>)
        "tpu.region"() ({
          %run_scoped3A_95 = tpu.sem_alloc : memref<!tpu.dma_semaphore, #tpu.memory_space<semaphore_mem>>
          %dma_start3A_96 = arith.constant 0 : i32
          %dma_start3A_97 = tpu.memref_slice %arg8[%add3A_62, %dma_start3A_96] : memref<50x40xi32, #tpu.memory_space<vmem>> -> memref<1x40xi32, #tpu.memory_space<vmem>>
          %dma_start3A_98 = tpu.memref_squeeze %dma_start3A_97 : memref<1x40xi32, #tpu.memory_space<vmem>> -> memref<40xi32, #tpu.memory_space<vmem>>
          %dma_start3A_99 = arith.constant 0 : i32
          %dma_start3A_100 = arith.constant 0 : i32
          %dma_start3A_101 = tpu.memref_slice %arg11[%dma_start3A_99, %dma_start3A_100] : memref<10000x128xf32, #tpu.memory_space<vmem_shared>> -> memref<10000x128xf32, #tpu.memory_space<vmem_shared>>
          tpu.enqueue_indirect_dma source(%arg9 : memref<40x128xf32, #tpu.memory_space<vmem>>) target(%dma_start3A_101 : memref<10000x128xf32, #tpu.memory_space<vmem_shared>>) offsets(%dma_start3A_98 : memref<40xi32, #tpu.memory_space<vmem>>) semaphore(%run_scoped3A_95 : memref<!tpu.dma_semaphore, #tpu.memory_space<semaphore_mem>>) {add = true}
          %dma_wait3A_102 = arith.constant 0 : i32
          %dma_wait3A_103 = tpu.memref_slice %arg8[%add3A_62, %dma_wait3A_102] : memref<50x40xi32, #tpu.memory_space<vmem>> -> memref<1x40xi32, #tpu.memory_space<vmem>>
          %dma_wait3A_104 = tpu.memref_squeeze %dma_wait3A_103 : memref<1x40xi32, #tpu.memory_space<vmem>> -> memref<40xi32, #tpu.memory_space<vmem>>
          %dma_wait3A_105 = arith.constant 0 : i32
          %dma_wait3A_106 = arith.constant 0 : i32
          %dma_wait3A_107 = tpu.memref_slice %arg11[%dma_wait3A_105, %dma_wait3A_106] : memref<10000x128xf32, #tpu.memory_space<vmem_shared>> -> memref<10000x128xf32, #tpu.memory_space<vmem_shared>>
          tpu.wait_indirect_dma semaphore(%run_scoped3A_95 : memref<!tpu.dma_semaphore, #tpu.memory_space<semaphore_mem>>) src(%arg9 : memref<40x128xf32, #tpu.memory_space<vmem>>) dst(%dma_wait3A_107 : memref<10000x128xf32, #tpu.memory_space<vmem_shared>>)
          tpu.yield
        }) : () -> ()
        %add3A_77 = arith.constant 2 : i32
        %add3A_78 = arith.addi %add3A_62, %add3A_77 : i32
        %dma_start3A_79 = arith.constant 0 : i32
        %dma_start3A_80 = tpu.memref_slice %arg7[%add3A_78, %dma_start3A_79] : memref<50x40xi32, #tpu.memory_space<vmem>> -> memref<1x40xi32, #tpu.memory_space<vmem>>
        %dma_start3A_81 = tpu.memref_squeeze %dma_start3A_80 : memref<1x40xi32, #tpu.memory_space<vmem>> -> memref<40xi32, #tpu.memory_space<vmem>>
        %dma_start3A_82 = arith.constant 0 : i32
        %dma_start3A_83 = arith.constant 0 : i32
        %dma_start3A_84 = tpu.memref_slice %arg2[%dma_start3A_82, %dma_start3A_83] : memref<10000x128xf32, #tpu.memory_space<hbm>> -> memref<10000x128xf32, #tpu.memory_space<hbm>>
        tpu.enqueue_indirect_dma source(%dma_start3A_84 : memref<10000x128xf32, #tpu.memory_space<hbm>>) target(%arg9 : memref<40x128xf32, #tpu.memory_space<vmem>>) offsets(%dma_start3A_81 : memref<40xi32, #tpu.memory_space<vmem>>) semaphore(%arg12 : memref<!tpu.dma_semaphore, #tpu.memory_space<semaphore_mem>>)
        %add3A_85 = arith.constant 1 : i32
        %add3A_86 = arith.addi %add3A_62, %add3A_85 : i32
        %dma_wait3A_87 = arith.constant 0 : i32
        %dma_wait3A_88 = tpu.memref_slice %arg7[%add3A_86, %dma_wait3A_87] : memref<50x40xi32, #tpu.memory_space<vmem>> -> memref<1x40xi32, #tpu.memory_space<vmem>>
        %dma_wait3A_89 = tpu.memref_squeeze %dma_wait3A_88 : memref<1x40xi32, #tpu.memory_space<vmem>> -> memref<40xi32, #tpu.memory_space<vmem>>
        %dma_wait3A_90 = arith.constant 0 : i32
        %dma_wait3A_91 = arith.constant 0 : i32
        %dma_wait3A_92 = tpu.memref_slice %arg2[%dma_wait3A_90, %dma_wait3A_91] : memref<10000x128xf32, #tpu.memory_space<hbm>> -> memref<10000x128xf32, #tpu.memory_space<hbm>>
        tpu.wait_indirect_dma semaphore(%arg13 : memref<!tpu.dma_semaphore, #tpu.memory_space<semaphore_mem>>) src(%dma_wait3A_92 : memref<10000x128xf32, #tpu.memory_space<hbm>>) dst(%arg10 : memref<40x128xf32, #tpu.memory_space<vmem>>)
        %add3A_93 = arith.constant 1 : i32
        %add3A_94 = arith.addi %add3A_62, %add3A_93 : i32
        "tpu.region"() ({
          %run_scoped3A_95 = tpu.sem_alloc : memref<!tpu.dma_semaphore, #tpu.memory_space<semaphore_mem>>
          %dma_start3A_96 = arith.constant 0 : i32
          %dma_start3A_97 = tpu.memref_slice %arg8[%add3A_94, %dma_start3A_96] : memref<50x40xi32, #tpu.memory_space<vmem>> -> memref<1x40xi32, #tpu.memory_space<vmem>>
          %dma_start3A_98 = tpu.memref_squeeze %dma_start3A_97 : memref<1x40xi32, #tpu.memory_space<vmem>> -> memref<40xi32, #tpu.memory_space<vmem>>
          %dma_start3A_99 = arith.constant 0 : i32
          %dma_start3A_100 = arith.constant 0 : i32
          %dma_start3A_101 = tpu.memref_slice %arg11[%dma_start3A_99, %dma_start3A_100] : memref<10000x128xf32, #tpu.memory_space<vmem_shared>> -> memref<10000x128xf32, #tpu.memory_space<vmem_shared>>
          tpu.enqueue_indirect_dma source(%arg10 : memref<40x128xf32, #tpu.memory_space<vmem>>) target(%dma_start3A_101 : memref<10000x128xf32, #tpu.memory_space<vmem_shared>>) offsets(%dma_start3A_98 : memref<40xi32, #tpu.memory_space<vmem>>) semaphore(%run_scoped3A_95 : memref<!tpu.dma_semaphore, #tpu.memory_space<semaphore_mem>>) {add = true}
          %dma_wait3A_102 = arith.constant 0 : i32
          %dma_wait3A_103 = tpu.memref_slice %arg8[%add3A_94, %dma_wait3A_102] : memref<50x40xi32, #tpu.memory_space<vmem>> -> memref<1x40xi32, #tpu.memory_space<vmem>>
          %dma_wait3A_104 = tpu.memref_squeeze %dma_wait3A_103 : memref<1x40xi32, #tpu.memory_space<vmem>> -> memref<40xi32, #tpu.memory_space<vmem>>
          %dma_wait3A_105 = arith.constant 0 : i32
          %dma_wait3A_106 = arith.constant 0 : i32
          %dma_wait3A_107 = tpu.memref_slice %arg11[%dma_wait3A_105, %dma_wait3A_106] : memref<10000x128xf32, #tpu.memory_space<vmem_shared>> -> memref<10000x128xf32, #tpu.memory_space<vmem_shared>>
          tpu.wait_indirect_dma semaphore(%run_scoped3A_95 : memref<!tpu.dma_semaphore, #tpu.memory_space<semaphore_mem>>) src(%arg10 : memref<40x128xf32, #tpu.memory_space<vmem>>) dst(%dma_wait3A_107 : memref<10000x128xf32, #tpu.memory_space<vmem_shared>>)
          tpu.yield
        }) : () -> ()
      }
      %scan3A_36 = arith.constant 24 : i32
      %dma_start3A_37 = arith.constant 49 : i32
      %dma_start3A_38 = arith.constant 0 : i32
      %dma_start3A_39 = tpu.memref_slice %arg7[%dma_start3A_37, %dma_start3A_38] : memref<50x40xi32, #tpu.memory_space<vmem>> -> memref<1x40xi32, #tpu.memory_space<vmem>>
      %dma_start3A_40 = tpu.memref_squeeze %dma_start3A_39 : memref<1x40xi32, #tpu.memory_space<vmem>> -> memref<40xi32, #tpu.memory_space<vmem>>
      %dma_start3A_41 = arith.constant 0 : i32
      %dma_start3A_42 = arith.constant 0 : i32
      %dma_start3A_43 = tpu.memref_slice %arg2[%dma_start3A_41, %dma_start3A_42] : memref<10000x128xf32, #tpu.memory_space<hbm>> -> memref<10000x128xf32, #tpu.memory_space<hbm>>
      tpu.enqueue_indirect_dma source(%dma_start3A_43 : memref<10000x128xf32, #tpu.memory_space<hbm>>) target(%arg10 : memref<40x128xf32, #tpu.memory_space<vmem>>) offsets(%dma_start3A_40 : memref<40xi32, #tpu.memory_space<vmem>>) semaphore(%arg13 : memref<!tpu.dma_semaphore, #tpu.memory_space<semaphore_mem>>)
      %dma_wait3A = arith.constant 48 : i32
      %dma_wait3A_44 = arith.constant 0 : i32
      %dma_wait3A_45 = tpu.memref_slice %arg7[%dma_wait3A, %dma_wait3A_44] : memref<50x40xi32, #tpu.memory_space<vmem>> -> memref<1x40xi32, #tpu.memory_space<vmem>>
      %dma_wait3A_46 = tpu.memref_squeeze %dma_wait3A_45 : memref<1x40xi32, #tpu.memory_space<vmem>> -> memref<40xi32, #tpu.memory_space<vmem>>
      %dma_wait3A_47 = arith.constant 0 : i32
      %dma_wait3A_48 = arith.constant 0 : i32
      %dma_wait3A_49 = tpu.memref_slice %arg2[%dma_wait3A_47, %dma_wait3A_48] : memref<10000x128xf32, #tpu.memory_space<hbm>> -> memref<10000x128xf32, #tpu.memory_space<hbm>>
      tpu.wait_indirect_dma semaphore(%arg12 : memref<!tpu.dma_semaphore, #tpu.memory_space<semaphore_mem>>) src(%dma_wait3A_49 : memref<10000x128xf32, #tpu.memory_space<hbm>>) dst(%arg9 : memref<40x128xf32, #tpu.memory_space<vmem>>)
      %run_scoped3A = arith.constant 48 : i32
      "tpu.region"() ({
        %run_scoped3A_58 = tpu.sem_alloc : memref<!tpu.dma_semaphore, #tpu.memory_space<semaphore_mem>>
        %dma_start3A_59 = arith.constant 0 : i32
        %dma_start3A_60 = tpu.memref_slice %arg8[%run_scoped3A, %dma_start3A_59] : memref<50x40xi32, #tpu.memory_space<vmem>> -> memref<1x40xi32, #tpu.memory_space<vmem>>
        %dma_start3A_61 = tpu.memref_squeeze %dma_start3A_60 : memref<1x40xi32, #tpu.memory_space<vmem>> -> memref<40xi32, #tpu.memory_space<vmem>>
        %dma_start3A_62 = arith.constant 0 : i32
        %dma_start3A_63 = arith.constant 0 : i32
        %dma_start3A_64 = tpu.memref_slice %arg11[%dma_start3A_62, %dma_start3A_63] : memref<10000x128xf32, #tpu.memory_space<vmem_shared>> -> memref<10000x128xf32, #tpu.memory_space<vmem_shared>>
        tpu.enqueue_indirect_dma source(%arg9 : memref<40x128xf32, #tpu.memory_space<vmem>>) target(%dma_start3A_64 : memref<10000x128xf32, #tpu.memory_space<vmem_shared>>) offsets(%dma_start3A_61 : memref<40xi32, #tpu.memory_space<vmem>>) semaphore(%run_scoped3A_58 : memref<!tpu.dma_semaphore, #tpu.memory_space<semaphore_mem>>) {add = true}
        %dma_wait3A_65 = arith.constant 0 : i32
        %dma_wait3A_66 = tpu.memref_slice %arg8[%run_scoped3A, %dma_wait3A_65] : memref<50x40xi32, #tpu.memory_space<vmem>> -> memref<1x40xi32, #tpu.memory_space<vmem>>
        %dma_wait3A_67 = tpu.memref_squeeze %dma_wait3A_66 : memref<1x40xi32, #tpu.memory_space<vmem>> -> memref<40xi32, #tpu.memory_space<vmem>>
        %dma_wait3A_68 = arith.constant 0 : i32
        %dma_wait3A_69 = arith.constant 0 : i32
        %dma_wait3A_70 = tpu.memref_slice %arg11[%dma_wait3A_68, %dma_wait3A_69] : memref<10000x128xf32, #tpu.memory_space<vmem_shared>> -> memref<10000x128xf32, #tpu.memory_space<vmem_shared>>
        tpu.wait_indirect_dma semaphore(%run_scoped3A_58 : memref<!tpu.dma_semaphore, #tpu.memory_space<semaphore_mem>>) src(%arg9 : memref<40x128xf32, #tpu.memory_space<vmem>>) dst(%dma_wait3A_70 : memref<10000x128xf32, #tpu.memory_space<vmem_shared>>)
        tpu.yield
      }) : () -> ()
      %dma_wait3A_50 = arith.constant 49 : i32
      %dma_wait3A_51 = arith.constant 0 : i32
      %dma_wait3A_52 = tpu.memref_slice %arg7[%dma_wait3A_50, %dma_wait3A_51] : memref<50x40xi32, #tpu.memory_space<vmem>> -> memref<1x40xi32, #tpu.memory_space<vmem>>
      %dma_wait3A_53 = tpu.memref_squeeze %dma_wait3A_52 : memref<1x40xi32, #tpu.memory_space<vmem>> -> memref<40xi32, #tpu.memory_space<vmem>>
      %dma_wait3A_54 = arith.constant 0 : i32
      %dma_wait3A_55 = arith.constant 0 : i32
      %dma_wait3A_56 = tpu.memref_slice %arg2[%dma_wait3A_54, %dma_wait3A_55] : memref<10000x128xf32, #tpu.memory_space<hbm>> -> memref<10000x128xf32, #tpu.memory_space<hbm>>
      tpu.wait_indirect_dma semaphore(%arg13 : memref<!tpu.dma_semaphore, #tpu.memory_space<semaphore_mem>>) src(%dma_wait3A_56 : memref<10000x128xf32, #tpu.memory_space<hbm>>) dst(%arg10 : memref<40x128xf32, #tpu.memory_space<vmem>>)
      %run_scoped3A_57 = arith.constant 49 : i32
      "tpu.region"() ({
        %run_scoped3A_58 = tpu.sem_alloc : memref<!tpu.dma_semaphore, #tpu.memory_space<semaphore_mem>>
        %dma_start3A_59 = arith.constant 0 : i32
        %dma_start3A_60 = tpu.memref_slice %arg8[%run_scoped3A_57, %dma_start3A_59] : memref<50x40xi32, #tpu.memory_space<vmem>> -> memref<1x40xi32, #tpu.memory_space<vmem>>
        %dma_start3A_61 = tpu.memref_squeeze %dma_start3A_60 : memref<1x40xi32, #tpu.memory_space<vmem>> -> memref<40xi32, #tpu.memory_space<vmem>>
        %dma_start3A_62 = arith.constant 0 : i32
        %dma_start3A_63 = arith.constant 0 : i32
        %dma_start3A_64 = tpu.memref_slice %arg11[%dma_start3A_62, %dma_start3A_63] : memref<10000x128xf32, #tpu.memory_space<vmem_shared>> -> memref<10000x128xf32, #tpu.memory_space<vmem_shared>>
        tpu.enqueue_indirect_dma source(%arg10 : memref<40x128xf32, #tpu.memory_space<vmem>>) target(%dma_start3A_64 : memref<10000x128xf32, #tpu.memory_space<vmem_shared>>) offsets(%dma_start3A_61 : memref<40xi32, #tpu.memory_space<vmem>>) semaphore(%run_scoped3A_58 : memref<!tpu.dma_semaphore, #tpu.memory_space<semaphore_mem>>) {add = true}
        %dma_wait3A_65 = arith.constant 0 : i32
        %dma_wait3A_66 = tpu.memref_slice %arg8[%run_scoped3A_57, %dma_wait3A_65] : memref<50x40xi32, #tpu.memory_space<vmem>> -> memref<1x40xi32, #tpu.memory_space<vmem>>
        %dma_wait3A_67 = tpu.memref_squeeze %dma_wait3A_66 : memref<1x40xi32, #tpu.memory_space<vmem>> -> memref<40xi32, #tpu.memory_space<vmem>>
        %dma_wait3A_68 = arith.constant 0 : i32
        %dma_wait3A_69 = arith.constant 0 : i32
        %dma_wait3A_70 = tpu.memref_slice %arg11[%dma_wait3A_68, %dma_wait3A_69] : memref<10000x128xf32, #tpu.memory_space<vmem_shared>> -> memref<10000x128xf32, #tpu.memory_space<vmem_shared>>
        tpu.wait_indirect_dma semaphore(%run_scoped3A_58 : memref<!tpu.dma_semaphore, #tpu.memory_space<semaphore_mem>>) src(%arg10 : memref<40x128xf32, #tpu.memory_space<vmem>>) dst(%dma_wait3A_70 : memref<10000x128xf32, #tpu.memory_space<vmem_shared>>)
        tpu.yield
      }) : () -> ()
    }
    %scan3A_10 = arith.constant 5 : i32
    %barrier3A_11 = arith.constant 0 : index
    tpu.barrier barrier_id(%barrier3A_11)
    %mul3A_12 = arith.constant 624 : i32
    %mul3A_13 = arith.muli %arg1, %mul3A_12 : i32
    %mul3A_14 = arith.constant 624 : i32
    %mul3A_15 = arith.muli %arg1, %mul3A_14 : i32
    "tpu.region"() ({
      %run_scoped3A = tpu.sem_alloc : memref<!tpu.dma_semaphore, #tpu.memory_space<semaphore_mem>>
      %dma_start3A = arith.constant 0 : i32
      %dma_start3A_21 = arith.constant 0 : i32
      %dma_start3A_22 = tpu.memref_slice %arg6[%arg0, %dma_start3A, %dma_start3A_21] : memref<2x10000x128xf32, #tpu.memory_space<hbm>> -> memref<1x10000x128xf32, #tpu.memory_space<hbm>>
      %dma_start3A_23 = tpu.memref_squeeze %dma_start3A_22 : memref<1x10000x128xf32, #tpu.memory_space<hbm>> -> memref<10000x128xf32, #tpu.memory_space<hbm>>
      %dma_start3A_24 = arith.constant 0 : i32
      %dma_start3A_25 = tpu.memref_slice %dma_start3A_23[%mul3A_15, %dma_start3A_24] : memref<10000x128xf32, #tpu.memory_space<hbm>> -> memref<624x128xf32, #tpu.memory_space<hbm>>
      %dma_start3A_26 = arith.constant 0 : i32
      %dma_start3A_27 = tpu.memref_slice %arg11[%mul3A_13, %dma_start3A_26] : memref<10000x128xf32, #tpu.memory_space<vmem_shared>> -> memref<624x128xf32, #tpu.memory_space<vmem_shared>>
      tpu.enqueue_dma source(%dma_start3A_27 : memref<624x128xf32, #tpu.memory_space<vmem_shared>>) target(%dma_start3A_25 : memref<624x128xf32, #tpu.memory_space<hbm>>) target_semaphore(%run_scoped3A : memref<!tpu.dma_semaphore, #tpu.memory_space<semaphore_mem>>)
      %dma_wait3A = arith.constant 0 : i32
      %dma_wait3A_28 = arith.constant 0 : i32
      %dma_wait3A_29 = tpu.memref_slice %arg6[%arg0, %dma_wait3A, %dma_wait3A_28] : memref<2x10000x128xf32, #tpu.memory_space<hbm>> -> memref<1x10000x128xf32, #tpu.memory_space<hbm>>
      %dma_wait3A_30 = tpu.memref_squeeze %dma_wait3A_29 : memref<1x10000x128xf32, #tpu.memory_space<hbm>> -> memref<10000x128xf32, #tpu.memory_space<hbm>>
      %dma_wait3A_31 = arith.constant 0 : i32
      %dma_wait3A_32 = tpu.memref_slice %dma_wait3A_30[%mul3A_15, %dma_wait3A_31] : memref<10000x128xf32, #tpu.memory_space<hbm>> -> memref<624x128xf32, #tpu.memory_space<hbm>>
      %dma_wait3A_33 = arith.constant 0 : i32
      %dma_wait3A_34 = tpu.memref_slice %arg11[%mul3A_13, %dma_wait3A_33] : memref<10000x128xf32, #tpu.memory_space<vmem_shared>> -> memref<624x128xf32, #tpu.memory_space<vmem_shared>>
      tpu.wait_dma2 semaphore(%run_scoped3A : memref<!tpu.dma_semaphore, #tpu.memory_space<semaphore_mem>>) src(%dma_wait3A_34 : memref<624x128xf32, #tpu.memory_space<vmem_shared>>) dst(%dma_wait3A_32 : memref<624x128xf32, #tpu.memory_space<hbm>>)
      tpu.yield
    }) : () -> ()
    %eq3A_16 = arith.constant 15 : i32
    %eq3A_17 = arith.cmpi eq, %arg1, %eq3A_16 : i32
    %convert_element_type3A_18 = arith.extui %eq3A_17 : i1 to i32
    %cond3A_19 = arith.constant 0 : i32
    %cond3A_20 = arith.cmpi ne, %convert_element_type3A_18, %cond3A_19 : i32
    scf.if %cond3A_20 {
      "tpu.region"() ({
        %run_scoped3A = tpu.sem_alloc : memref<!tpu.dma_semaphore, #tpu.memory_space<semaphore_mem>>
        %dma_start3A = arith.constant 0 : i32
        %dma_start3A_21 = arith.constant 0 : i32
        %dma_start3A_22 = tpu.memref_slice %arg6[%arg0, %dma_start3A, %dma_start3A_21] : memref<2x10000x128xf32, #tpu.memory_space<hbm>> -> memref<1x10000x128xf32, #tpu.memory_space<hbm>>
        %dma_start3A_23 = tpu.memref_squeeze %dma_start3A_22 : memref<1x10000x128xf32, #tpu.memory_space<hbm>> -> memref<10000x128xf32, #tpu.memory_space<hbm>>
        %dma_start3A_24 = arith.constant 9984 : i32
        %dma_start3A_25 = arith.constant 0 : i32
        %dma_start3A_26 = tpu.memref_slice %dma_start3A_23[%dma_start3A_24, %dma_start3A_25] : memref<10000x128xf32, #tpu.memory_space<hbm>> -> memref<16x128xf32, #tpu.memory_space<hbm>>
        %dma_start3A_27 = arith.constant 9984 : i32
        %dma_start3A_28 = arith.constant 0 : i32
        %dma_start3A_29 = tpu.memref_slice %arg11[%dma_start3A_27, %dma_start3A_28] : memref<10000x128xf32, #tpu.memory_space<vmem_shared>> -> memref<16x128xf32, #tpu.memory_space<vmem_shared>>
        tpu.enqueue_dma source(%dma_start3A_29 : memref<16x128xf32, #tpu.memory_space<vmem_shared>>) target(%dma_start3A_26 : memref<16x128xf32, #tpu.memory_space<hbm>>) target_semaphore(%run_scoped3A : memref<!tpu.dma_semaphore, #tpu.memory_space<semaphore_mem>>)
        %dma_wait3A = arith.constant 0 : i32
        %dma_wait3A_30 = arith.constant 0 : i32
        %dma_wait3A_31 = tpu.memref_slice %arg6[%arg0, %dma_wait3A, %dma_wait3A_30] : memref<2x10000x128xf32, #tpu.memory_space<hbm>> -> memref<1x10000x128xf32, #tpu.memory_space<hbm>>
        %dma_wait3A_32 = tpu.memref_squeeze %dma_wait3A_31 : memref<1x10000x128xf32, #tpu.memory_space<hbm>> -> memref<10000x128xf32, #tpu.memory_space<hbm>>
        %dma_wait3A_33 = arith.constant 9984 : i32
        %dma_wait3A_34 = arith.constant 0 : i32
        %dma_wait3A_35 = tpu.memref_slice %dma_wait3A_32[%dma_wait3A_33, %dma_wait3A_34] : memref<10000x128xf32, #tpu.memory_space<hbm>> -> memref<16x128xf32, #tpu.memory_space<hbm>>
        %dma_wait3A_36 = arith.constant 9984 : i32
        %dma_wait3A_37 = arith.constant 0 : i32
        %dma_wait3A_38 = tpu.memref_slice %arg11[%dma_wait3A_36, %dma_wait3A_37] : memref<10000x128xf32, #tpu.memory_space<vmem_shared>> -> memref<16x128xf32, #tpu.memory_space<vmem_shared>>
        tpu.wait_dma2 semaphore(%run_scoped3A : memref<!tpu.dma_semaphore, #tpu.memory_space<semaphore_mem>>) src(%dma_wait3A_38 : memref<16x128xf32, #tpu.memory_space<vmem_shared>>) dst(%dma_wait3A_35 : memref<16x128xf32, #tpu.memory_space<hbm>>)
        tpu.yield
      }) : () -> ()
    } else {
    }
    return
  }
}

#map = affine_map<(d0, d1) -> (0, 0)>
#map1 = affine_map<(d0, d1) -> (0, 0, 0, 0)>
#map2 = affine_map<(d0, d1) -> (0, 0, 0)>
module attributes {stable_mosaic.version = 14 : i64} {
  func.func @_segsum_sc(%arg0: i32, %arg1: i32, %arg2: memref<10000x128xf32, #tpu.memory_space<hbm>>, %arg3: memref<32x5x50x40xi32, #tpu.memory_space<hbm>>, %arg4: memref<32x5x50x40xi32, #tpu.memory_space<hbm>>, %arg5: memref<10000x128xf32, #tpu.memory_space<hbm>>, %arg6: memref<2x10000x128xf32, #tpu.memory_space<hbm>>, %arg7: memref<50x40xi32, #tpu.memory_space<vmem>>, %arg8: memref<50x40xi32, #tpu.memory_space<vmem>>, %arg9: memref<40x128xf32, #tpu.memory_space<vmem>>, %arg10: memref<40x128xf32, #tpu.memory_space<vmem>>, %arg11: memref<10000x128xf32, #tpu.memory_space<vmem_shared>>, %arg12: memref<!tpu.dma_semaphore, #tpu.memory_space<semaphore_mem>>, %arg13: memref<!tpu.dma_semaphore, #tpu.memory_space<semaphore_mem>>) attributes {dimension_semantics = [#tpu.dimension_semantics<core_parallel>, #tpu.dimension_semantics<subcore_parallel>], iteration_bounds = array<i64: 2, 16>, scalar_prefetch = 0 : i64, scratch_operands = 7 : i64, tpu.core_type = #tpu.core_type<sc_vector_subcore>, window_params = [{transform_indices = #map}, {transform_indices = #map1}, {transform_indices = #map1}, {transform_indices = #map}, {transform_indices = #map2}]} {
    %mul3A = arith.constant 16 : i32
    %mul3A_0 = arith.muli %arg0, %mul3A : i32
    %add3A = arith.addi %mul3A_0, %arg1 : i32
    %mul3A_1 = arith.constant 624 : i32
    %mul3A_2 = arith.muli %arg1, %mul3A_1 : i32
    %mul3A_3 = arith.constant 624 : i32
    %mul3A_4 = arith.muli %arg1, %mul3A_3 : i32
    "tpu.region"() ({
      %run_scoped3A = tpu.sem_alloc : memref<!tpu.dma_semaphore, #tpu.memory_space<semaphore_mem>>
      %dma_start3A = arith.constant 0 : i32
      %dma_start3A_21 = tpu.memref_slice %arg11[%mul3A_4, %dma_start3A] : memref<10000x128xf32, #tpu.memory_space<vmem_shared>> -> memref<624x128xf32, #tpu.memory_space<vmem_shared>>
      %dma_start3A_22 = arith.constant 0 : i32
      %dma_start3A_23 = tpu.memref_slice %arg5[%mul3A_2, %dma_start3A_22] : memref<10000x128xf32, #tpu.memory_space<hbm>> -> memref<624x128xf32, #tpu.memory_space<hbm>>
      tpu.enqueue_dma source(%dma_start3A_23 : memref<624x128xf32, #tpu.memory_space<hbm>>) target(%dma_start3A_21 : memref<624x128xf32, #tpu.memory_space<vmem_shared>>) target_semaphore(%run_scoped3A : memref<!tpu.dma_semaphore, #tpu.memory_space<semaphore_mem>>)
      %dma_wait3A = arith.constant 0 : i32
      %dma_wait3A_24 = tpu.memref_slice %arg11[%mul3A_4, %dma_wait3A] : memref<10000x128xf32, #tpu.memory_space<vmem_shared>> -> memref<624x128xf32, #tpu.memory_space<vmem_shared>>
      %dma_wait3A_25 = arith.constant 0 : i32
      %dma_wait3A_26 = tpu.memref_slice %arg5[%mul3A_2, %dma_wait3A_25] : memref<10000x128xf32, #tpu.memory_space<hbm>> -> memref<624x128xf32, #tpu.memory_space<hbm>>
      tpu.wait_dma2 semaphore(%run_scoped3A : memref<!tpu.dma_semaphore, #tpu.memory_space<semaphore_mem>>) src(%dma_wait3A_26 : memref<624x128xf32, #tpu.memory_space<hbm>>) dst(%dma_wait3A_24 : memref<624x128xf32, #tpu.memory_space<vmem_shared>>)
      tpu.yield
    }) : () -> ()
    %eq3A = arith.constant 15 : i32
    %eq3A_5 = arith.cmpi eq, %arg1, %eq3A : i32
    %convert_element_type3A = arith.extui %eq3A_5 : i1 to i32
    %cond3A = arith.constant 0 : i32
    %cond3A_6 = arith.cmpi ne, %convert_element_type3A, %cond3A : i32
    scf.if %cond3A_6 {
      "tpu.region"() ({
        %run_scoped3A = tpu.sem_alloc : memref<!tpu.dma_semaphore, #tpu.memory_space<semaphore_mem>>
        %dma_start3A = arith.constant 9984 : i32
        %dma_start3A_21 = arith.constant 0 : i32
        %dma_start3A_22 = tpu.memref_slice %arg11[%dma_start3A, %dma_start3A_21] : memref<10000x128xf32, #tpu.memory_space<vmem_shared>> -> memref<16x128xf32, #tpu.memory_space<vmem_shared>>
        %dma_start3A_23 = arith.constant 9984 : i32
        %dma_start3A_24 = arith.constant 0 : i32
        %dma_start3A_25 = tpu.memref_slice %arg5[%dma_start3A_23, %dma_start3A_24] : memref<10000x128xf32, #tpu.memory_space<hbm>> -> memref<16x128xf32, #tpu.memory_space<hbm>>
        tpu.enqueue_dma source(%dma_start3A_25 : memref<16x128xf32, #tpu.memory_space<hbm>>) target(%dma_start3A_22 : memref<16x128xf32, #tpu.memory_space<vmem_shared>>) target_semaphore(%run_scoped3A : memref<!tpu.dma_semaphore, #tpu.memory_space<semaphore_mem>>)
        %dma_wait3A = arith.constant 9984 : i32
        %dma_wait3A_26 = arith.constant 0 : i32
        %dma_wait3A_27 = tpu.memref_slice %arg11[%dma_wait3A, %dma_wait3A_26] : memref<10000x128xf32, #tpu.memory_space<vmem_shared>> -> memref<16x128xf32, #tpu.memory_space<vmem_shared>>
        %dma_wait3A_28 = arith.constant 9984 : i32
        %dma_wait3A_29 = arith.constant 0 : i32
        %dma_wait3A_30 = tpu.memref_slice %arg5[%dma_wait3A_28, %dma_wait3A_29] : memref<10000x128xf32, #tpu.memory_space<hbm>> -> memref<16x128xf32, #tpu.memory_space<hbm>>
        tpu.wait_dma2 semaphore(%run_scoped3A : memref<!tpu.dma_semaphore, #tpu.memory_space<semaphore_mem>>) src(%dma_wait3A_30 : memref<16x128xf32, #tpu.memory_space<hbm>>) dst(%dma_wait3A_27 : memref<16x128xf32, #tpu.memory_space<vmem_shared>>)
        tpu.yield
      }) : () -> ()
    } else {
    }
    %barrier3A = arith.constant 0 : index
    tpu.barrier barrier_id(%barrier3A)
    %scan3A = arith.constant 0 : i32
    %scan3A_7 = arith.constant 5 : i32
    %scan3A_8 = arith.addi %scan3A, %scan3A_7 : i32
    %scan3A_9 = arith.constant 1 : i32
    scf.for %scan3A_21 = %scan3A to %scan3A_8 step %scan3A_9  : i32 {
      %mul3A_22 = arith.constant 1 : i32
      %mul3A_23 = arith.muli %scan3A_21, %mul3A_22 : i32
      %add3A_24 = arith.constant 0 : i32
      %add3A_25 = arith.addi %add3A_24, %mul3A_23 : i32
      "tpu.region"() ({
        %run_scoped3A_58 = tpu.sem_alloc : memref<!tpu.dma_semaphore, #tpu.memory_space<semaphore_mem>>
        %dma_start3A_59 = arith.constant 0 : i32
        %dma_start3A_60 = arith.constant 0 : i32
        %dma_start3A_61 = arith.constant 0 : i32
        %dma_start3A_62 = tpu.memref_slice %arg3[%add3A, %dma_start3A_59, %dma_start3A_60, %dma_start3A_61] : memref<32x5x50x40xi32, #tpu.memory_space<hbm>> -> memref<1x5x50x40xi32, #tpu.memory_space<hbm>>
        %dma_start3A_63 = tpu.memref_squeeze %dma_start3A_62 : memref<1x5x50x40xi32, #tpu.memory_space<hbm>> -> memref<5x50x40xi32, #tpu.memory_space<hbm>>
        %dma_start3A_64 = arith.constant 0 : i32
        %dma_start3A_65 = arith.constant 0 : i32
        %dma_start3A_66 = tpu.memref_slice %dma_start3A_63[%add3A_25, %dma_start3A_64, %dma_start3A_65] : memref<5x50x40xi32, #tpu.memory_space<hbm>> -> memref<1x50x40xi32, #tpu.memory_space<hbm>>
        %dma_start3A_67 = tpu.memref_squeeze %dma_start3A_66 : memref<1x50x40xi32, #tpu.memory_space<hbm>> -> memref<50x40xi32, #tpu.memory_space<hbm>>
        %dma_start3A_68 = arith.constant 0 : i32
        %dma_start3A_69 = arith.constant 0 : i32
        %dma_start3A_70 = arith.constant 0 : i32
        %dma_start3A_71 = tpu.memref_slice %arg3[%add3A, %dma_start3A_68, %dma_start3A_69, %dma_start3A_70] : memref<32x5x50x40xi32, #tpu.memory_space<hbm>> -> memref<1x5x50x40xi32, #tpu.memory_space<hbm>>
        %dma_start3A_72 = tpu.memref_squeeze %dma_start3A_71 : memref<1x5x50x40xi32, #tpu.memory_space<hbm>> -> memref<5x50x40xi32, #tpu.memory_space<hbm>>
        %dma_start3A_73 = arith.constant 0 : i32
        %dma_start3A_74 = arith.constant 0 : i32
        %dma_start3A_75 = tpu.memref_slice %dma_start3A_72[%add3A_25, %dma_start3A_73, %dma_start3A_74] : memref<5x50x40xi32, #tpu.memory_space<hbm>> -> memref<1x50x40xi32, #tpu.memory_space<hbm>>
        %dma_start3A_76 = tpu.memref_squeeze %dma_start3A_75 : memref<1x50x40xi32, #tpu.memory_space<hbm>> -> memref<50x40xi32, #tpu.memory_space<hbm>>
        tpu.enqueue_dma source(%dma_start3A_76 : memref<50x40xi32, #tpu.memory_space<hbm>>) target(%arg7 : memref<50x40xi32, #tpu.memory_space<vmem>>) target_semaphore(%run_scoped3A_58 : memref<!tpu.dma_semaphore, #tpu.memory_space<semaphore_mem>>)
        %dma_wait3A_77 = arith.constant 0 : i32
        %dma_wait3A_78 = arith.constant 0 : i32
        %dma_wait3A_79 = arith.constant 0 : i32
        %dma_wait3A_80 = tpu.memref_slice %arg3[%add3A, %dma_wait3A_77, %dma_wait3A_78, %dma_wait3A_79] : memref<32x5x50x40xi32, #tpu.memory_space<hbm>> -> memref<1x5x50x40xi32, #tpu.memory_space<hbm>>
        %dma_wait3A_81 = tpu.memref_squeeze %dma_wait3A_80 : memref<1x5x50x40xi32, #tpu.memory_space<hbm>> -> memref<5x50x40xi32, #tpu.memory_space<hbm>>
        %dma_wait3A_82 = arith.constant 0 : i32
        %dma_wait3A_83 = arith.constant 0 : i32
        %dma_wait3A_84 = tpu.memref_slice %dma_wait3A_81[%add3A_25, %dma_wait3A_82, %dma_wait3A_83] : memref<5x50x40xi32, #tpu.memory_space<hbm>> -> memref<1x50x40xi32, #tpu.memory_space<hbm>>
        %dma_wait3A_85 = tpu.memref_squeeze %dma_wait3A_84 : memref<1x50x40xi32, #tpu.memory_space<hbm>> -> memref<50x40xi32, #tpu.memory_space<hbm>>
        %dma_wait3A_86 = arith.constant 0 : i32
        %dma_wait3A_87 = arith.constant 0 : i32
        %dma_wait3A_88 = arith.constant 0 : i32
        %dma_wait3A_89 = tpu.memref_slice %arg3[%add3A, %dma_wait3A_86, %dma_wait3A_87, %dma_wait3A_88] : memref<32x5x50x40xi32, #tpu.memory_space<hbm>> -> memref<1x5x50x40xi32, #tpu.memory_space<hbm>>
        %dma_wait3A_90 = tpu.memref_squeeze %dma_wait3A_89 : memref<1x5x50x40xi32, #tpu.memory_space<hbm>> -> memref<5x50x40xi32, #tpu.memory_space<hbm>>
        %dma_wait3A_91 = arith.constant 0 : i32
        %dma_wait3A_92 = arith.constant 0 : i32
        %dma_wait3A_93 = tpu.memref_slice %dma_wait3A_90[%add3A_25, %dma_wait3A_91, %dma_wait3A_92] : memref<5x50x40xi32, #tpu.memory_space<hbm>> -> memref<1x50x40xi32, #tpu.memory_space<hbm>>
        %dma_wait3A_94 = tpu.memref_squeeze %dma_wait3A_93 : memref<1x50x40xi32, #tpu.memory_space<hbm>> -> memref<50x40xi32, #tpu.memory_space<hbm>>
        tpu.wait_dma2 semaphore(%run_scoped3A_58 : memref<!tpu.dma_semaphore, #tpu.memory_space<semaphore_mem>>) src(%dma_wait3A_94 : memref<50x40xi32, #tpu.memory_space<hbm>>) dst(%arg7 : memref<50x40xi32, #tpu.memory_space<vmem>>)
        tpu.yield
      }) : () -> ()
      "tpu.region"() ({
        %run_scoped3A_58 = tpu.sem_alloc : memref<!tpu.dma_semaphore, #tpu.memory_space<semaphore_mem>>
        %dma_start3A_59 = arith.constant 0 : i32
        %dma_start3A_60 = arith.constant 0 : i32
        %dma_start3A_61 = arith.constant 0 : i32
        %dma_start3A_62 = tpu.memref_slice %arg4[%add3A, %dma_start3A_59, %dma_start3A_60, %dma_start3A_61] : memref<32x5x50x40xi32, #tpu.memory_space<hbm>> -> memref<1x5x50x40xi32, #tpu.memory_space<hbm>>
        %dma_start3A_63 = tpu.memref_squeeze %dma_start3A_62 : memref<1x5x50x40xi32, #tpu.memory_space<hbm>> -> memref<5x50x40xi32, #tpu.memory_space<hbm>>
        %dma_start3A_64 = arith.constant 0 : i32
        %dma_start3A_65 = arith.constant 0 : i32
        %dma_start3A_66 = tpu.memref_slice %dma_start3A_63[%add3A_25, %dma_start3A_64, %dma_start3A_65] : memref<5x50x40xi32, #tpu.memory_space<hbm>> -> memref<1x50x40xi32, #tpu.memory_space<hbm>>
        %dma_start3A_67 = tpu.memref_squeeze %dma_start3A_66 : memref<1x50x40xi32, #tpu.memory_space<hbm>> -> memref<50x40xi32, #tpu.memory_space<hbm>>
        %dma_start3A_68 = arith.constant 0 : i32
        %dma_start3A_69 = arith.constant 0 : i32
        %dma_start3A_70 = arith.constant 0 : i32
        %dma_start3A_71 = tpu.memref_slice %arg4[%add3A, %dma_start3A_68, %dma_start3A_69, %dma_start3A_70] : memref<32x5x50x40xi32, #tpu.memory_space<hbm>> -> memref<1x5x50x40xi32, #tpu.memory_space<hbm>>
        %dma_start3A_72 = tpu.memref_squeeze %dma_start3A_71 : memref<1x5x50x40xi32, #tpu.memory_space<hbm>> -> memref<5x50x40xi32, #tpu.memory_space<hbm>>
        %dma_start3A_73 = arith.constant 0 : i32
        %dma_start3A_74 = arith.constant 0 : i32
        %dma_start3A_75 = tpu.memref_slice %dma_start3A_72[%add3A_25, %dma_start3A_73, %dma_start3A_74] : memref<5x50x40xi32, #tpu.memory_space<hbm>> -> memref<1x50x40xi32, #tpu.memory_space<hbm>>
        %dma_start3A_76 = tpu.memref_squeeze %dma_start3A_75 : memref<1x50x40xi32, #tpu.memory_space<hbm>> -> memref<50x40xi32, #tpu.memory_space<hbm>>
        tpu.enqueue_dma source(%dma_start3A_76 : memref<50x40xi32, #tpu.memory_space<hbm>>) target(%arg8 : memref<50x40xi32, #tpu.memory_space<vmem>>) target_semaphore(%run_scoped3A_58 : memref<!tpu.dma_semaphore, #tpu.memory_space<semaphore_mem>>)
        %dma_wait3A_77 = arith.constant 0 : i32
        %dma_wait3A_78 = arith.constant 0 : i32
        %dma_wait3A_79 = arith.constant 0 : i32
        %dma_wait3A_80 = tpu.memref_slice %arg4[%add3A, %dma_wait3A_77, %dma_wait3A_78, %dma_wait3A_79] : memref<32x5x50x40xi32, #tpu.memory_space<hbm>> -> memref<1x5x50x40xi32, #tpu.memory_space<hbm>>
        %dma_wait3A_81 = tpu.memref_squeeze %dma_wait3A_80 : memref<1x5x50x40xi32, #tpu.memory_space<hbm>> -> memref<5x50x40xi32, #tpu.memory_space<hbm>>
        %dma_wait3A_82 = arith.constant 0 : i32
        %dma_wait3A_83 = arith.constant 0 : i32
        %dma_wait3A_84 = tpu.memref_slice %dma_wait3A_81[%add3A_25, %dma_wait3A_82, %dma_wait3A_83] : memref<5x50x40xi32, #tpu.memory_space<hbm>> -> memref<1x50x40xi32, #tpu.memory_space<hbm>>
        %dma_wait3A_85 = tpu.memref_squeeze %dma_wait3A_84 : memref<1x50x40xi32, #tpu.memory_space<hbm>> -> memref<50x40xi32, #tpu.memory_space<hbm>>
        %dma_wait3A_86 = arith.constant 0 : i32
        %dma_wait3A_87 = arith.constant 0 : i32
        %dma_wait3A_88 = arith.constant 0 : i32
        %dma_wait3A_89 = tpu.memref_slice %arg4[%add3A, %dma_wait3A_86, %dma_wait3A_87, %dma_wait3A_88] : memref<32x5x50x40xi32, #tpu.memory_space<hbm>> -> memref<1x5x50x40xi32, #tpu.memory_space<hbm>>
        %dma_wait3A_90 = tpu.memref_squeeze %dma_wait3A_89 : memref<1x5x50x40xi32, #tpu.memory_space<hbm>> -> memref<5x50x40xi32, #tpu.memory_space<hbm>>
        %dma_wait3A_91 = arith.constant 0 : i32
        %dma_wait3A_92 = arith.constant 0 : i32
        %dma_wait3A_93 = tpu.memref_slice %dma_wait3A_90[%add3A_25, %dma_wait3A_91, %dma_wait3A_92] : memref<5x50x40xi32, #tpu.memory_space<hbm>> -> memref<1x50x40xi32, #tpu.memory_space<hbm>>
        %dma_wait3A_94 = tpu.memref_squeeze %dma_wait3A_93 : memref<1x50x40xi32, #tpu.memory_space<hbm>> -> memref<50x40xi32, #tpu.memory_space<hbm>>
        tpu.wait_dma2 semaphore(%run_scoped3A_58 : memref<!tpu.dma_semaphore, #tpu.memory_space<semaphore_mem>>) src(%dma_wait3A_94 : memref<50x40xi32, #tpu.memory_space<hbm>>) dst(%arg8 : memref<50x40xi32, #tpu.memory_space<vmem>>)
        tpu.yield
      }) : () -> ()
      %dma_start3A = arith.constant 0 : i32
      %dma_start3A_26 = arith.constant 0 : i32
      %dma_start3A_27 = tpu.memref_slice %arg7[%dma_start3A, %dma_start3A_26] : memref<50x40xi32, #tpu.memory_space<vmem>> -> memref<1x40xi32, #tpu.memory_space<vmem>>
      %dma_start3A_28 = tpu.memref_squeeze %dma_start3A_27 : memref<1x40xi32, #tpu.memory_space<vmem>> -> memref<40xi32, #tpu.memory_space<vmem>>
      %dma_start3A_29 = arith.constant 0 : i32
      %dma_start3A_30 = arith.constant 0 : i32
      %dma_start3A_31 = tpu.memref_slice %arg2[%dma_start3A_29, %dma_start3A_30] : memref<10000x128xf32, #tpu.memory_space<hbm>> -> memref<10000x128xf32, #tpu.memory_space<hbm>>
      tpu.enqueue_indirect_dma source(%dma_start3A_31 : memref<10000x128xf32, #tpu.memory_space<hbm>>) target(%arg9 : memref<40x128xf32, #tpu.memory_space<vmem>>) offsets(%dma_start3A_28 : memref<40xi32, #tpu.memory_space<vmem>>) semaphore(%arg12 : memref<!tpu.dma_semaphore, #tpu.memory_space<semaphore_mem>>)
      %scan3A_32 = arith.constant 0 : i32
      %scan3A_33 = arith.constant 24 : i32
      %scan3A_34 = arith.addi %scan3A_32, %scan3A_33 : i32
      %scan3A_35 = arith.constant 1 : i32
      scf.for %scan3A_58 = %scan3A_32 to %scan3A_34 step %scan3A_35  : i32 {
        %mul3A_59 = arith.constant 2 : i32
        %mul3A_60 = arith.muli %scan3A_58, %mul3A_59 : i32
        %add3A_61 = arith.constant 0 : i32
        %add3A_62 = arith.addi %add3A_61, %mul3A_60 : i32
        %add3A_63 = arith.constant 1 : i32
        %add3A_64 = arith.addi %add3A_62, %add3A_63 : i32
        %dma_start3A_65 = arith.constant 0 : i32
        %dma_start3A_66 = tpu.memref_slice %arg7[%add3A_64, %dma_start3A_65] : memref<50x40xi32, #tpu.memory_space<vmem>> -> memref<1x40xi32, #tpu.memory_space<vmem>>
        %dma_start3A_67 = tpu.memref_squeeze %dma_start3A_66 : memref<1x40xi32, #tpu.memory_space<vmem>> -> memref<40xi32, #tpu.memory_space<vmem>>
        %dma_start3A_68 = arith.constant 0 : i32
        %dma_start3A_69 = arith.constant 0 : i32
        %dma_start3A_70 = tpu.memref_slice %arg2[%dma_start3A_68, %dma_start3A_69] : memref<10000x128xf32, #tpu.memory_space<hbm>> -> memref<10000x128xf32, #tpu.memory_space<hbm>>
        tpu.enqueue_indirect_dma source(%dma_start3A_70 : memref<10000x128xf32, #tpu.memory_space<hbm>>) target(%arg10 : memref<40x128xf32, #tpu.memory_space<vmem>>) offsets(%dma_start3A_67 : memref<40xi32, #tpu.memory_space<vmem>>) semaphore(%arg13 : memref<!tpu.dma_semaphore, #tpu.memory_space<semaphore_mem>>)
        %dma_wait3A_71 = arith.constant 0 : i32
        %dma_wait3A_72 = tpu.memref_slice %arg7[%add3A_62, %dma_wait3A_71] : memref<50x40xi32, #tpu.memory_space<vmem>> -> memref<1x40xi32, #tpu.memory_space<vmem>>
        %dma_wait3A_73 = tpu.memref_squeeze %dma_wait3A_72 : memref<1x40xi32, #tpu.memory_space<vmem>> -> memref<40xi32, #tpu.memory_space<vmem>>
        %dma_wait3A_74 = arith.constant 0 : i32
        %dma_wait3A_75 = arith.constant 0 : i32
        %dma_wait3A_76 = tpu.memref_slice %arg2[%dma_wait3A_74, %dma_wait3A_75] : memref<10000x128xf32, #tpu.memory_space<hbm>> -> memref<10000x128xf32, #tpu.memory_space<hbm>>
        tpu.wait_indirect_dma semaphore(%arg12 : memref<!tpu.dma_semaphore, #tpu.memory_space<semaphore_mem>>) src(%dma_wait3A_76 : memref<10000x128xf32, #tpu.memory_space<hbm>>) dst(%arg9 : memref<40x128xf32, #tpu.memory_space<vmem>>)
        "tpu.region"() ({
          %run_scoped3A_95 = tpu.sem_alloc : memref<!tpu.dma_semaphore, #tpu.memory_space<semaphore_mem>>
          %dma_start3A_96 = arith.constant 0 : i32
          %dma_start3A_97 = tpu.memref_slice %arg8[%add3A_62, %dma_start3A_96] : memref<50x40xi32, #tpu.memory_space<vmem>> -> memref<1x40xi32, #tpu.memory_space<vmem>>
          %dma_start3A_98 = tpu.memref_squeeze %dma_start3A_97 : memref<1x40xi32, #tpu.memory_space<vmem>> -> memref<40xi32, #tpu.memory_space<vmem>>
          %dma_start3A_99 = arith.constant 0 : i32
          %dma_start3A_100 = arith.constant 0 : i32
          %dma_start3A_101 = tpu.memref_slice %arg11[%dma_start3A_99, %dma_start3A_100] : memref<10000x128xf32, #tpu.memory_space<vmem_shared>> -> memref<10000x128xf32, #tpu.memory_space<vmem_shared>>
          tpu.enqueue_indirect_dma source(%arg9 : memref<40x128xf32, #tpu.memory_space<vmem>>) target(%dma_start3A_101 : memref<10000x128xf32, #tpu.memory_space<vmem_shared>>) offsets(%dma_start3A_98 : memref<40xi32, #tpu.memory_space<vmem>>) semaphore(%run_scoped3A_95 : memref<!tpu.dma_semaphore, #tpu.memory_space<semaphore_mem>>) {add = true}
          %dma_wait3A_102 = arith.constant 0 : i32
          %dma_wait3A_103 = tpu.memref_slice %arg8[%add3A_62, %dma_wait3A_102] : memref<50x40xi32, #tpu.memory_space<vmem>> -> memref<1x40xi32, #tpu.memory_space<vmem>>
          %dma_wait3A_104 = tpu.memref_squeeze %dma_wait3A_103 : memref<1x40xi32, #tpu.memory_space<vmem>> -> memref<40xi32, #tpu.memory_space<vmem>>
          %dma_wait3A_105 = arith.constant 0 : i32
          %dma_wait3A_106 = arith.constant 0 : i32
          %dma_wait3A_107 = tpu.memref_slice %arg11[%dma_wait3A_105, %dma_wait3A_106] : memref<10000x128xf32, #tpu.memory_space<vmem_shared>> -> memref<10000x128xf32, #tpu.memory_space<vmem_shared>>
          tpu.wait_indirect_dma semaphore(%run_scoped3A_95 : memref<!tpu.dma_semaphore, #tpu.memory_space<semaphore_mem>>) src(%arg9 : memref<40x128xf32, #tpu.memory_space<vmem>>) dst(%dma_wait3A_107 : memref<10000x128xf32, #tpu.memory_space<vmem_shared>>)
          tpu.yield
        }) : () -> ()
        %add3A_77 = arith.constant 2 : i32
        %add3A_78 = arith.addi %add3A_62, %add3A_77 : i32
        %dma_start3A_79 = arith.constant 0 : i32
        %dma_start3A_80 = tpu.memref_slice %arg7[%add3A_78, %dma_start3A_79] : memref<50x40xi32, #tpu.memory_space<vmem>> -> memref<1x40xi32, #tpu.memory_space<vmem>>
        %dma_start3A_81 = tpu.memref_squeeze %dma_start3A_80 : memref<1x40xi32, #tpu.memory_space<vmem>> -> memref<40xi32, #tpu.memory_space<vmem>>
        %dma_start3A_82 = arith.constant 0 : i32
        %dma_start3A_83 = arith.constant 0 : i32
        %dma_start3A_84 = tpu.memref_slice %arg2[%dma_start3A_82, %dma_start3A_83] : memref<10000x128xf32, #tpu.memory_space<hbm>> -> memref<10000x128xf32, #tpu.memory_space<hbm>>
        tpu.enqueue_indirect_dma source(%dma_start3A_84 : memref<10000x128xf32, #tpu.memory_space<hbm>>) target(%arg9 : memref<40x128xf32, #tpu.memory_space<vmem>>) offsets(%dma_start3A_81 : memref<40xi32, #tpu.memory_space<vmem>>) semaphore(%arg12 : memref<!tpu.dma_semaphore, #tpu.memory_space<semaphore_mem>>)
        %add3A_85 = arith.constant 1 : i32
        %add3A_86 = arith.addi %add3A_62, %add3A_85 : i32
        %dma_wait3A_87 = arith.constant 0 : i32
        %dma_wait3A_88 = tpu.memref_slice %arg7[%add3A_86, %dma_wait3A_87] : memref<50x40xi32, #tpu.memory_space<vmem>> -> memref<1x40xi32, #tpu.memory_space<vmem>>
        %dma_wait3A_89 = tpu.memref_squeeze %dma_wait3A_88 : memref<1x40xi32, #tpu.memory_space<vmem>> -> memref<40xi32, #tpu.memory_space<vmem>>
        %dma_wait3A_90 = arith.constant 0 : i32
        %dma_wait3A_91 = arith.constant 0 : i32
        %dma_wait3A_92 = tpu.memref_slice %arg2[%dma_wait3A_90, %dma_wait3A_91] : memref<10000x128xf32, #tpu.memory_space<hbm>> -> memref<10000x128xf32, #tpu.memory_space<hbm>>
        tpu.wait_indirect_dma semaphore(%arg13 : memref<!tpu.dma_semaphore, #tpu.memory_space<semaphore_mem>>) src(%dma_wait3A_92 : memref<10000x128xf32, #tpu.memory_space<hbm>>) dst(%arg10 : memref<40x128xf32, #tpu.memory_space<vmem>>)
        %add3A_93 = arith.constant 1 : i32
        %add3A_94 = arith.addi %add3A_62, %add3A_93 : i32
        "tpu.region"() ({
          %run_scoped3A_95 = tpu.sem_alloc : memref<!tpu.dma_semaphore, #tpu.memory_space<semaphore_mem>>
          %dma_start3A_96 = arith.constant 0 : i32
          %dma_start3A_97 = tpu.memref_slice %arg8[%add3A_94, %dma_start3A_96] : memref<50x40xi32, #tpu.memory_space<vmem>> -> memref<1x40xi32, #tpu.memory_space<vmem>>
          %dma_start3A_98 = tpu.memref_squeeze %dma_start3A_97 : memref<1x40xi32, #tpu.memory_space<vmem>> -> memref<40xi32, #tpu.memory_space<vmem>>
          %dma_start3A_99 = arith.constant 0 : i32
          %dma_start3A_100 = arith.constant 0 : i32
          %dma_start3A_101 = tpu.memref_slice %arg11[%dma_start3A_99, %dma_start3A_100] : memref<10000x128xf32, #tpu.memory_space<vmem_shared>> -> memref<10000x128xf32, #tpu.memory_space<vmem_shared>>
          tpu.enqueue_indirect_dma source(%arg10 : memref<40x128xf32, #tpu.memory_space<vmem>>) target(%dma_start3A_101 : memref<10000x128xf32, #tpu.memory_space<vmem_shared>>) offsets(%dma_start3A_98 : memref<40xi32, #tpu.memory_space<vmem>>) semaphore(%run_scoped3A_95 : memref<!tpu.dma_semaphore, #tpu.memory_space<semaphore_mem>>) {add = true}
          %dma_wait3A_102 = arith.constant 0 : i32
          %dma_wait3A_103 = tpu.memref_slice %arg8[%add3A_94, %dma_wait3A_102] : memref<50x40xi32, #tpu.memory_space<vmem>> -> memref<1x40xi32, #tpu.memory_space<vmem>>
          %dma_wait3A_104 = tpu.memref_squeeze %dma_wait3A_103 : memref<1x40xi32, #tpu.memory_space<vmem>> -> memref<40xi32, #tpu.memory_space<vmem>>
          %dma_wait3A_105 = arith.constant 0 : i32
          %dma_wait3A_106 = arith.constant 0 : i32
          %dma_wait3A_107 = tpu.memref_slice %arg11[%dma_wait3A_105, %dma_wait3A_106] : memref<10000x128xf32, #tpu.memory_space<vmem_shared>> -> memref<10000x128xf32, #tpu.memory_space<vmem_shared>>
          tpu.wait_indirect_dma semaphore(%run_scoped3A_95 : memref<!tpu.dma_semaphore, #tpu.memory_space<semaphore_mem>>) src(%arg10 : memref<40x128xf32, #tpu.memory_space<vmem>>) dst(%dma_wait3A_107 : memref<10000x128xf32, #tpu.memory_space<vmem_shared>>)
          tpu.yield
        }) : () -> ()
      }
      %scan3A_36 = arith.constant 24 : i32
      %dma_start3A_37 = arith.constant 49 : i32
      %dma_start3A_38 = arith.constant 0 : i32
      %dma_start3A_39 = tpu.memref_slice %arg7[%dma_start3A_37, %dma_start3A_38] : memref<50x40xi32, #tpu.memory_space<vmem>> -> memref<1x40xi32, #tpu.memory_space<vmem>>
      %dma_start3A_40 = tpu.memref_squeeze %dma_start3A_39 : memref<1x40xi32, #tpu.memory_space<vmem>> -> memref<40xi32, #tpu.memory_space<vmem>>
      %dma_start3A_41 = arith.constant 0 : i32
      %dma_start3A_42 = arith.constant 0 : i32
      %dma_start3A_43 = tpu.memref_slice %arg2[%dma_start3A_41, %dma_start3A_42] : memref<10000x128xf32, #tpu.memory_space<hbm>> -> memref<10000x128xf32, #tpu.memory_space<hbm>>
      tpu.enqueue_indirect_dma source(%dma_start3A_43 : memref<10000x128xf32, #tpu.memory_space<hbm>>) target(%arg10 : memref<40x128xf32, #tpu.memory_space<vmem>>) offsets(%dma_start3A_40 : memref<40xi32, #tpu.memory_space<vmem>>) semaphore(%arg13 : memref<!tpu.dma_semaphore, #tpu.memory_space<semaphore_mem>>)
      %dma_wait3A = arith.constant 48 : i32
      %dma_wait3A_44 = arith.constant 0 : i32
      %dma_wait3A_45 = tpu.memref_slice %arg7[%dma_wait3A, %dma_wait3A_44] : memref<50x40xi32, #tpu.memory_space<vmem>> -> memref<1x40xi32, #tpu.memory_space<vmem>>
      %dma_wait3A_46 = tpu.memref_squeeze %dma_wait3A_45 : memref<1x40xi32, #tpu.memory_space<vmem>> -> memref<40xi32, #tpu.memory_space<vmem>>
      %dma_wait3A_47 = arith.constant 0 : i32
      %dma_wait3A_48 = arith.constant 0 : i32
      %dma_wait3A_49 = tpu.memref_slice %arg2[%dma_wait3A_47, %dma_wait3A_48] : memref<10000x128xf32, #tpu.memory_space<hbm>> -> memref<10000x128xf32, #tpu.memory_space<hbm>>
      tpu.wait_indirect_dma semaphore(%arg12 : memref<!tpu.dma_semaphore, #tpu.memory_space<semaphore_mem>>) src(%dma_wait3A_49 : memref<10000x128xf32, #tpu.memory_space<hbm>>) dst(%arg9 : memref<40x128xf32, #tpu.memory_space<vmem>>)
      %run_scoped3A = arith.constant 48 : i32
      "tpu.region"() ({
        %run_scoped3A_58 = tpu.sem_alloc : memref<!tpu.dma_semaphore, #tpu.memory_space<semaphore_mem>>
        %dma_start3A_59 = arith.constant 0 : i32
        %dma_start3A_60 = tpu.memref_slice %arg8[%run_scoped3A, %dma_start3A_59] : memref<50x40xi32, #tpu.memory_space<vmem>> -> memref<1x40xi32, #tpu.memory_space<vmem>>
        %dma_start3A_61 = tpu.memref_squeeze %dma_start3A_60 : memref<1x40xi32, #tpu.memory_space<vmem>> -> memref<40xi32, #tpu.memory_space<vmem>>
        %dma_start3A_62 = arith.constant 0 : i32
        %dma_start3A_63 = arith.constant 0 : i32
        %dma_start3A_64 = tpu.memref_slice %arg11[%dma_start3A_62, %dma_start3A_63] : memref<10000x128xf32, #tpu.memory_space<vmem_shared>> -> memref<10000x128xf32, #tpu.memory_space<vmem_shared>>
        tpu.enqueue_indirect_dma source(%arg9 : memref<40x128xf32, #tpu.memory_space<vmem>>) target(%dma_start3A_64 : memref<10000x128xf32, #tpu.memory_space<vmem_shared>>) offsets(%dma_start3A_61 : memref<40xi32, #tpu.memory_space<vmem>>) semaphore(%run_scoped3A_58 : memref<!tpu.dma_semaphore, #tpu.memory_space<semaphore_mem>>) {add = true}
        %dma_wait3A_65 = arith.constant 0 : i32
        %dma_wait3A_66 = tpu.memref_slice %arg8[%run_scoped3A, %dma_wait3A_65] : memref<50x40xi32, #tpu.memory_space<vmem>> -> memref<1x40xi32, #tpu.memory_space<vmem>>
        %dma_wait3A_67 = tpu.memref_squeeze %dma_wait3A_66 : memref<1x40xi32, #tpu.memory_space<vmem>> -> memref<40xi32, #tpu.memory_space<vmem>>
        %dma_wait3A_68 = arith.constant 0 : i32
        %dma_wait3A_69 = arith.constant 0 : i32
        %dma_wait3A_70 = tpu.memref_slice %arg11[%dma_wait3A_68, %dma_wait3A_69] : memref<10000x128xf32, #tpu.memory_space<vmem_shared>> -> memref<10000x128xf32, #tpu.memory_space<vmem_shared>>
        tpu.wait_indirect_dma semaphore(%run_scoped3A_58 : memref<!tpu.dma_semaphore, #tpu.memory_space<semaphore_mem>>) src(%arg9 : memref<40x128xf32, #tpu.memory_space<vmem>>) dst(%dma_wait3A_70 : memref<10000x128xf32, #tpu.memory_space<vmem_shared>>)
        tpu.yield
      }) : () -> ()
      %dma_wait3A_50 = arith.constant 49 : i32
      %dma_wait3A_51 = arith.constant 0 : i32
      %dma_wait3A_52 = tpu.memref_slice %arg7[%dma_wait3A_50, %dma_wait3A_51] : memref<50x40xi32, #tpu.memory_space<vmem>> -> memref<1x40xi32, #tpu.memory_space<vmem>>
      %dma_wait3A_53 = tpu.memref_squeeze %dma_wait3A_52 : memref<1x40xi32, #tpu.memory_space<vmem>> -> memref<40xi32, #tpu.memory_space<vmem>>
      %dma_wait3A_54 = arith.constant 0 : i32
      %dma_wait3A_55 = arith.constant 0 : i32
      %dma_wait3A_56 = tpu.memref_slice %arg2[%dma_wait3A_54, %dma_wait3A_55] : memref<10000x128xf32, #tpu.memory_space<hbm>> -> memref<10000x128xf32, #tpu.memory_space<hbm>>
      tpu.wait_indirect_dma semaphore(%arg13 : memref<!tpu.dma_semaphore, #tpu.memory_space<semaphore_mem>>) src(%dma_wait3A_56 : memref<10000x128xf32, #tpu.memory_space<hbm>>) dst(%arg10 : memref<40x128xf32, #tpu.memory_space<vmem>>)
      %run_scoped3A_57 = arith.constant 49 : i32
      "tpu.region"() ({
        %run_scoped3A_58 = tpu.sem_alloc : memref<!tpu.dma_semaphore, #tpu.memory_space<semaphore_mem>>
        %dma_start3A_59 = arith.constant 0 : i32
        %dma_start3A_60 = tpu.memref_slice %arg8[%run_scoped3A_57, %dma_start3A_59] : memref<50x40xi32, #tpu.memory_space<vmem>> -> memref<1x40xi32, #tpu.memory_space<vmem>>
        %dma_start3A_61 = tpu.memref_squeeze %dma_start3A_60 : memref<1x40xi32, #tpu.memory_space<vmem>> -> memref<40xi32, #tpu.memory_space<vmem>>
        %dma_start3A_62 = arith.constant 0 : i32
        %dma_start3A_63 = arith.constant 0 : i32
        %dma_start3A_64 = tpu.memref_slice %arg11[%dma_start3A_62, %dma_start3A_63] : memref<10000x128xf32, #tpu.memory_space<vmem_shared>> -> memref<10000x128xf32, #tpu.memory_space<vmem_shared>>
        tpu.enqueue_indirect_dma source(%arg10 : memref<40x128xf32, #tpu.memory_space<vmem>>) target(%dma_start3A_64 : memref<10000x128xf32, #tpu.memory_space<vmem_shared>>) offsets(%dma_start3A_61 : memref<40xi32, #tpu.memory_space<vmem>>) semaphore(%run_scoped3A_58 : memref<!tpu.dma_semaphore, #tpu.memory_space<semaphore_mem>>) {add = true}
        %dma_wait3A_65 = arith.constant 0 : i32
        %dma_wait3A_66 = tpu.memref_slice %arg8[%run_scoped3A_57, %dma_wait3A_65] : memref<50x40xi32, #tpu.memory_space<vmem>> -> memref<1x40xi32, #tpu.memory_space<vmem>>
        %dma_wait3A_67 = tpu.memref_squeeze %dma_wait3A_66 : memref<1x40xi32, #tpu.memory_space<vmem>> -> memref<40xi32, #tpu.memory_space<vmem>>
        %dma_wait3A_68 = arith.constant 0 : i32
        %dma_wait3A_69 = arith.constant 0 : i32
        %dma_wait3A_70 = tpu.memref_slice %arg11[%dma_wait3A_68, %dma_wait3A_69] : memref<10000x128xf32, #tpu.memory_space<vmem_shared>> -> memref<10000x128xf32, #tpu.memory_space<vmem_shared>>
        tpu.wait_indirect_dma semaphore(%run_scoped3A_58 : memref<!tpu.dma_semaphore, #tpu.memory_space<semaphore_mem>>) src(%arg10 : memref<40x128xf32, #tpu.memory_space<vmem>>) dst(%dma_wait3A_70 : memref<10000x128xf32, #tpu.memory_space<vmem_shared>>)
        tpu.yield
      }) : () -> ()
    }
    %scan3A_10 = arith.constant 5 : i32
    %barrier3A_11 = arith.constant 0 : index
    tpu.barrier barrier_id(%barrier3A_11)
    %mul3A_12 = arith.constant 624 : i32
    %mul3A_13 = arith.muli %arg1, %mul3A_12 : i32
    %mul3A_14 = arith.constant 624 : i32
    %mul3A_15 = arith.muli %arg1, %mul3A_14 : i32
    "tpu.region"() ({
      %run_scoped3A = tpu.sem_alloc : memref<!tpu.dma_semaphore, #tpu.memory_space<semaphore_mem>>
      %dma_start3A = arith.constant 0 : i32
      %dma_start3A_21 = arith.constant 0 : i32
      %dma_start3A_22 = tpu.memref_slice %arg6[%arg0, %dma_start3A, %dma_start3A_21] : memref<2x10000x128xf32, #tpu.memory_space<hbm>> -> memref<1x10000x128xf32, #tpu.memory_space<hbm>>
      %dma_start3A_23 = tpu.memref_squeeze %dma_start3A_22 : memref<1x10000x128xf32, #tpu.memory_space<hbm>> -> memref<10000x128xf32, #tpu.memory_space<hbm>>
      %dma_start3A_24 = arith.constant 0 : i32
      %dma_start3A_25 = tpu.memref_slice %dma_start3A_23[%mul3A_15, %dma_start3A_24] : memref<10000x128xf32, #tpu.memory_space<hbm>> -> memref<624x128xf32, #tpu.memory_space<hbm>>
      %dma_start3A_26 = arith.constant 0 : i32
      %dma_start3A_27 = tpu.memref_slice %arg11[%mul3A_13, %dma_start3A_26] : memref<10000x128xf32, #tpu.memory_space<vmem_shared>> -> memref<624x128xf32, #tpu.memory_space<vmem_shared>>
      tpu.enqueue_dma source(%dma_start3A_27 : memref<624x128xf32, #tpu.memory_space<vmem_shared>>) target(%dma_start3A_25 : memref<624x128xf32, #tpu.memory_space<hbm>>) target_semaphore(%run_scoped3A : memref<!tpu.dma_semaphore, #tpu.memory_space<semaphore_mem>>)
      %dma_wait3A = arith.constant 0 : i32
      %dma_wait3A_28 = arith.constant 0 : i32
      %dma_wait3A_29 = tpu.memref_slice %arg6[%arg0, %dma_wait3A, %dma_wait3A_28] : memref<2x10000x128xf32, #tpu.memory_space<hbm>> -> memref<1x10000x128xf32, #tpu.memory_space<hbm>>
      %dma_wait3A_30 = tpu.memref_squeeze %dma_wait3A_29 : memref<1x10000x128xf32, #tpu.memory_space<hbm>> -> memref<10000x128xf32, #tpu.memory_space<hbm>>
      %dma_wait3A_31 = arith.constant 0 : i32
      %dma_wait3A_32 = tpu.memref_slice %dma_wait3A_30[%mul3A_15, %dma_wait3A_31] : memref<10000x128xf32, #tpu.memory_space<hbm>> -> memref<624x128xf32, #tpu.memory_space<hbm>>
      %dma_wait3A_33 = arith.constant 0 : i32
      %dma_wait3A_34 = tpu.memref_slice %arg11[%mul3A_13, %dma_wait3A_33] : memref<10000x128xf32, #tpu.memory_space<vmem_shared>> -> memref<624x128xf32, #tpu.memory_space<vmem_shared>>
      tpu.wait_dma2 semaphore(%run_scoped3A : memref<!tpu.dma_semaphore, #tpu.memory_space<semaphore_mem>>) src(%dma_wait3A_34 : memref<624x128xf32, #tpu.memory_space<vmem_shared>>) dst(%dma_wait3A_32 : memref<624x128xf32, #tpu.memory_space<hbm>>)
      tpu.yield
    }) : () -> ()
    %eq3A_16 = arith.constant 15 : i32
    %eq3A_17 = arith.cmpi eq, %arg1, %eq3A_16 : i32
    %convert_element_type3A_18 = arith.extui %eq3A_17 : i1 to i32
    %cond3A_19 = arith.constant 0 : i32
    %cond3A_20 = arith.cmpi ne, %convert_element_type3A_18, %cond3A_19 : i32
    scf.if %cond3A_20 {
      "tpu.region"() ({
        %run_scoped3A = tpu.sem_alloc : memref<!tpu.dma_semaphore, #tpu.memory_space<semaphore_mem>>
        %dma_start3A = arith.constant 0 : i32
        %dma_start3A_21 = arith.constant 0 : i32
        %dma_start3A_22 = tpu.memref_slice %arg6[%arg0, %dma_start3A, %dma_start3A_21] : memref<2x10000x128xf32, #tpu.memory_space<hbm>> -> memref<1x10000x128xf32, #tpu.memory_space<hbm>>
        %dma_start3A_23 = tpu.memref_squeeze %dma_start3A_22 : memref<1x10000x128xf32, #tpu.memory_space<hbm>> -> memref<10000x128xf32, #tpu.memory_space<hbm>>
        %dma_start3A_24 = arith.constant 9984 : i32
        %dma_start3A_25 = arith.constant 0 : i32
        %dma_start3A_26 = tpu.memref_slice %dma_start3A_23[%dma_start3A_24, %dma_start3A_25] : memref<10000x128xf32, #tpu.memory_space<hbm>> -> memref<16x128xf32, #tpu.memory_space<hbm>>
        %dma_start3A_27 = arith.constant 9984 : i32
        %dma_start3A_28 = arith.constant 0 : i32
        %dma_start3A_29 = tpu.memref_slice %arg11[%dma_start3A_27, %dma_start3A_28] : memref<10000x128xf32, #tpu.memory_space<vmem_shared>> -> memref<16x128xf32, #tpu.memory_space<vmem_shared>>
        tpu.enqueue_dma source(%dma_start3A_29 : memref<16x128xf32, #tpu.memory_space<vmem_shared>>) target(%dma_start3A_26 : memref<16x128xf32, #tpu.memory_space<hbm>>) target_semaphore(%run_scoped3A : memref<!tpu.dma_semaphore, #tpu.memory_space<semaphore_mem>>)
        %dma_wait3A = arith.constant 0 : i32
        %dma_wait3A_30 = arith.constant 0 : i32
        %dma_wait3A_31 = tpu.memref_slice %arg6[%arg0, %dma_wait3A, %dma_wait3A_30] : memref<2x10000x128xf32, #tpu.memory_space<hbm>> -> memref<1x10000x128xf32, #tpu.memory_space<hbm>>
        %dma_wait3A_32 = tpu.memref_squeeze %dma_wait3A_31 : memref<1x10000x128xf32, #tpu.memory_space<hbm>> -> memref<10000x128xf32, #tpu.memory_space<hbm>>
        %dma_wait3A_33 = arith.constant 9984 : i32
        %dma_wait3A_34 = arith.constant 0 : i32
        %dma_wait3A_35 = tpu.memref_slice %dma_wait3A_32[%dma_wait3A_33, %dma_wait3A_34] : memref<10000x128xf32, #tpu.memory_space<hbm>> -> memref<16x128xf32, #tpu.memory_space<hbm>>
        %dma_wait3A_36 = arith.constant 9984 : i32
        %dma_wait3A_37 = arith.constant 0 : i32
        %dma_wait3A_38 = tpu.memref_slice %arg11[%dma_wait3A_36, %dma_wait3A_37] : memref<10000x128xf32, #tpu.memory_space<vmem_shared>> -> memref<16x128xf32, #tpu.memory_space<vmem_shared>>
        tpu.wait_dma2 semaphore(%run_scoped3A : memref<!tpu.dma_semaphore, #tpu.memory_space<semaphore_mem>>) src(%dma_wait3A_38 : memref<16x128xf32, #tpu.memory_space<vmem_shared>>) dst(%dma_wait3A_35 : memref<16x128xf32, #tpu.memory_space<hbm>>)
        tpu.yield
      }) : () -> ()
    } else {
    }
    return
  }
}

#map = affine_map<(d0, d1) -> (0, 0)>
#map1 = affine_map<(d0, d1) -> (0, 0, 0, 0)>
#map2 = affine_map<(d0, d1) -> (0, 0, 0)>
module attributes {stable_mosaic.version = 14 : i64} {
  func.func @_segsum_sc(%arg0: i32, %arg1: i32, %arg2: memref<10000x128xf32, #tpu.memory_space<hbm>>, %arg3: memref<32x5x50x40xi32, #tpu.memory_space<hbm>>, %arg4: memref<32x5x50x40xi32, #tpu.memory_space<hbm>>, %arg5: memref<10000x128xf32, #tpu.memory_space<hbm>>, %arg6: memref<2x10000x128xf32, #tpu.memory_space<hbm>>, %arg7: memref<50x40xi32, #tpu.memory_space<vmem>>, %arg8: memref<50x40xi32, #tpu.memory_space<vmem>>, %arg9: memref<40x128xf32, #tpu.memory_space<vmem>>, %arg10: memref<40x128xf32, #tpu.memory_space<vmem>>, %arg11: memref<10000x128xf32, #tpu.memory_space<vmem_shared>>, %arg12: memref<!tpu.dma_semaphore, #tpu.memory_space<semaphore_mem>>, %arg13: memref<!tpu.dma_semaphore, #tpu.memory_space<semaphore_mem>>) attributes {dimension_semantics = [#tpu.dimension_semantics<core_parallel>, #tpu.dimension_semantics<subcore_parallel>], iteration_bounds = array<i64: 2, 16>, scalar_prefetch = 0 : i64, scratch_operands = 7 : i64, tpu.core_type = #tpu.core_type<sc_vector_subcore>, window_params = [{transform_indices = #map}, {transform_indices = #map1}, {transform_indices = #map1}, {transform_indices = #map}, {transform_indices = #map2}]} {
    %mul3A = arith.constant 16 : i32
    %mul3A_0 = arith.muli %arg0, %mul3A : i32
    %add3A = arith.addi %mul3A_0, %arg1 : i32
    %mul3A_1 = arith.constant 624 : i32
    %mul3A_2 = arith.muli %arg1, %mul3A_1 : i32
    %mul3A_3 = arith.constant 624 : i32
    %mul3A_4 = arith.muli %arg1, %mul3A_3 : i32
    "tpu.region"() ({
      %run_scoped3A = tpu.sem_alloc : memref<!tpu.dma_semaphore, #tpu.memory_space<semaphore_mem>>
      %dma_start3A = arith.constant 0 : i32
      %dma_start3A_21 = tpu.memref_slice %arg11[%mul3A_4, %dma_start3A] : memref<10000x128xf32, #tpu.memory_space<vmem_shared>> -> memref<624x128xf32, #tpu.memory_space<vmem_shared>>
      %dma_start3A_22 = arith.constant 0 : i32
      %dma_start3A_23 = tpu.memref_slice %arg5[%mul3A_2, %dma_start3A_22] : memref<10000x128xf32, #tpu.memory_space<hbm>> -> memref<624x128xf32, #tpu.memory_space<hbm>>
      tpu.enqueue_dma source(%dma_start3A_23 : memref<624x128xf32, #tpu.memory_space<hbm>>) target(%dma_start3A_21 : memref<624x128xf32, #tpu.memory_space<vmem_shared>>) target_semaphore(%run_scoped3A : memref<!tpu.dma_semaphore, #tpu.memory_space<semaphore_mem>>)
      %dma_wait3A = arith.constant 0 : i32
      %dma_wait3A_24 = tpu.memref_slice %arg11[%mul3A_4, %dma_wait3A] : memref<10000x128xf32, #tpu.memory_space<vmem_shared>> -> memref<624x128xf32, #tpu.memory_space<vmem_shared>>
      %dma_wait3A_25 = arith.constant 0 : i32
      %dma_wait3A_26 = tpu.memref_slice %arg5[%mul3A_2, %dma_wait3A_25] : memref<10000x128xf32, #tpu.memory_space<hbm>> -> memref<624x128xf32, #tpu.memory_space<hbm>>
      tpu.wait_dma2 semaphore(%run_scoped3A : memref<!tpu.dma_semaphore, #tpu.memory_space<semaphore_mem>>) src(%dma_wait3A_26 : memref<624x128xf32, #tpu.memory_space<hbm>>) dst(%dma_wait3A_24 : memref<624x128xf32, #tpu.memory_space<vmem_shared>>)
      tpu.yield
    }) : () -> ()
    %eq3A = arith.constant 15 : i32
    %eq3A_5 = arith.cmpi eq, %arg1, %eq3A : i32
    %convert_element_type3A = arith.extui %eq3A_5 : i1 to i32
    %cond3A = arith.constant 0 : i32
    %cond3A_6 = arith.cmpi ne, %convert_element_type3A, %cond3A : i32
    scf.if %cond3A_6 {
      "tpu.region"() ({
        %run_scoped3A = tpu.sem_alloc : memref<!tpu.dma_semaphore, #tpu.memory_space<semaphore_mem>>
        %dma_start3A = arith.constant 9984 : i32
        %dma_start3A_21 = arith.constant 0 : i32
        %dma_start3A_22 = tpu.memref_slice %arg11[%dma_start3A, %dma_start3A_21] : memref<10000x128xf32, #tpu.memory_space<vmem_shared>> -> memref<16x128xf32, #tpu.memory_space<vmem_shared>>
        %dma_start3A_23 = arith.constant 9984 : i32
        %dma_start3A_24 = arith.constant 0 : i32
        %dma_start3A_25 = tpu.memref_slice %arg5[%dma_start3A_23, %dma_start3A_24] : memref<10000x128xf32, #tpu.memory_space<hbm>> -> memref<16x128xf32, #tpu.memory_space<hbm>>
        tpu.enqueue_dma source(%dma_start3A_25 : memref<16x128xf32, #tpu.memory_space<hbm>>) target(%dma_start3A_22 : memref<16x128xf32, #tpu.memory_space<vmem_shared>>) target_semaphore(%run_scoped3A : memref<!tpu.dma_semaphore, #tpu.memory_space<semaphore_mem>>)
        %dma_wait3A = arith.constant 9984 : i32
        %dma_wait3A_26 = arith.constant 0 : i32
        %dma_wait3A_27 = tpu.memref_slice %arg11[%dma_wait3A, %dma_wait3A_26] : memref<10000x128xf32, #tpu.memory_space<vmem_shared>> -> memref<16x128xf32, #tpu.memory_space<vmem_shared>>
        %dma_wait3A_28 = arith.constant 9984 : i32
        %dma_wait3A_29 = arith.constant 0 : i32
        %dma_wait3A_30 = tpu.memref_slice %arg5[%dma_wait3A_28, %dma_wait3A_29] : memref<10000x128xf32, #tpu.memory_space<hbm>> -> memref<16x128xf32, #tpu.memory_space<hbm>>
        tpu.wait_dma2 semaphore(%run_scoped3A : memref<!tpu.dma_semaphore, #tpu.memory_space<semaphore_mem>>) src(%dma_wait3A_30 : memref<16x128xf32, #tpu.memory_space<hbm>>) dst(%dma_wait3A_27 : memref<16x128xf32, #tpu.memory_space<vmem_shared>>)
        tpu.yield
      }) : () -> ()
    } else {
    }
    %barrier3A = arith.constant 0 : index
    tpu.barrier barrier_id(%barrier3A)
    %scan3A = arith.constant 0 : i32
    %scan3A_7 = arith.constant 5 : i32
    %scan3A_8 = arith.addi %scan3A, %scan3A_7 : i32
    %scan3A_9 = arith.constant 1 : i32
    scf.for %scan3A_21 = %scan3A to %scan3A_8 step %scan3A_9  : i32 {
      %mul3A_22 = arith.constant 1 : i32
      %mul3A_23 = arith.muli %scan3A_21, %mul3A_22 : i32
      %add3A_24 = arith.constant 0 : i32
      %add3A_25 = arith.addi %add3A_24, %mul3A_23 : i32
      "tpu.region"() ({
        %run_scoped3A_58 = tpu.sem_alloc : memref<!tpu.dma_semaphore, #tpu.memory_space<semaphore_mem>>
        %dma_start3A_59 = arith.constant 0 : i32
        %dma_start3A_60 = arith.constant 0 : i32
        %dma_start3A_61 = arith.constant 0 : i32
        %dma_start3A_62 = tpu.memref_slice %arg3[%add3A, %dma_start3A_59, %dma_start3A_60, %dma_start3A_61] : memref<32x5x50x40xi32, #tpu.memory_space<hbm>> -> memref<1x5x50x40xi32, #tpu.memory_space<hbm>>
        %dma_start3A_63 = tpu.memref_squeeze %dma_start3A_62 : memref<1x5x50x40xi32, #tpu.memory_space<hbm>> -> memref<5x50x40xi32, #tpu.memory_space<hbm>>
        %dma_start3A_64 = arith.constant 0 : i32
        %dma_start3A_65 = arith.constant 0 : i32
        %dma_start3A_66 = tpu.memref_slice %dma_start3A_63[%add3A_25, %dma_start3A_64, %dma_start3A_65] : memref<5x50x40xi32, #tpu.memory_space<hbm>> -> memref<1x50x40xi32, #tpu.memory_space<hbm>>
        %dma_start3A_67 = tpu.memref_squeeze %dma_start3A_66 : memref<1x50x40xi32, #tpu.memory_space<hbm>> -> memref<50x40xi32, #tpu.memory_space<hbm>>
        %dma_start3A_68 = arith.constant 0 : i32
        %dma_start3A_69 = arith.constant 0 : i32
        %dma_start3A_70 = arith.constant 0 : i32
        %dma_start3A_71 = tpu.memref_slice %arg3[%add3A, %dma_start3A_68, %dma_start3A_69, %dma_start3A_70] : memref<32x5x50x40xi32, #tpu.memory_space<hbm>> -> memref<1x5x50x40xi32, #tpu.memory_space<hbm>>
        %dma_start3A_72 = tpu.memref_squeeze %dma_start3A_71 : memref<1x5x50x40xi32, #tpu.memory_space<hbm>> -> memref<5x50x40xi32, #tpu.memory_space<hbm>>
        %dma_start3A_73 = arith.constant 0 : i32
        %dma_start3A_74 = arith.constant 0 : i32
        %dma_start3A_75 = tpu.memref_slice %dma_start3A_72[%add3A_25, %dma_start3A_73, %dma_start3A_74] : memref<5x50x40xi32, #tpu.memory_space<hbm>> -> memref<1x50x40xi32, #tpu.memory_space<hbm>>
        %dma_start3A_76 = tpu.memref_squeeze %dma_start3A_75 : memref<1x50x40xi32, #tpu.memory_space<hbm>> -> memref<50x40xi32, #tpu.memory_space<hbm>>
        tpu.enqueue_dma source(%dma_start3A_76 : memref<50x40xi32, #tpu.memory_space<hbm>>) target(%arg7 : memref<50x40xi32, #tpu.memory_space<vmem>>) target_semaphore(%run_scoped3A_58 : memref<!tpu.dma_semaphore, #tpu.memory_space<semaphore_mem>>)
        %dma_wait3A_77 = arith.constant 0 : i32
        %dma_wait3A_78 = arith.constant 0 : i32
        %dma_wait3A_79 = arith.constant 0 : i32
        %dma_wait3A_80 = tpu.memref_slice %arg3[%add3A, %dma_wait3A_77, %dma_wait3A_78, %dma_wait3A_79] : memref<32x5x50x40xi32, #tpu.memory_space<hbm>> -> memref<1x5x50x40xi32, #tpu.memory_space<hbm>>
        %dma_wait3A_81 = tpu.memref_squeeze %dma_wait3A_80 : memref<1x5x50x40xi32, #tpu.memory_space<hbm>> -> memref<5x50x40xi32, #tpu.memory_space<hbm>>
        %dma_wait3A_82 = arith.constant 0 : i32
        %dma_wait3A_83 = arith.constant 0 : i32
        %dma_wait3A_84 = tpu.memref_slice %dma_wait3A_81[%add3A_25, %dma_wait3A_82, %dma_wait3A_83] : memref<5x50x40xi32, #tpu.memory_space<hbm>> -> memref<1x50x40xi32, #tpu.memory_space<hbm>>
        %dma_wait3A_85 = tpu.memref_squeeze %dma_wait3A_84 : memref<1x50x40xi32, #tpu.memory_space<hbm>> -> memref<50x40xi32, #tpu.memory_space<hbm>>
        %dma_wait3A_86 = arith.constant 0 : i32
        %dma_wait3A_87 = arith.constant 0 : i32
        %dma_wait3A_88 = arith.constant 0 : i32
        %dma_wait3A_89 = tpu.memref_slice %arg3[%add3A, %dma_wait3A_86, %dma_wait3A_87, %dma_wait3A_88] : memref<32x5x50x40xi32, #tpu.memory_space<hbm>> -> memref<1x5x50x40xi32, #tpu.memory_space<hbm>>
        %dma_wait3A_90 = tpu.memref_squeeze %dma_wait3A_89 : memref<1x5x50x40xi32, #tpu.memory_space<hbm>> -> memref<5x50x40xi32, #tpu.memory_space<hbm>>
        %dma_wait3A_91 = arith.constant 0 : i32
        %dma_wait3A_92 = arith.constant 0 : i32
        %dma_wait3A_93 = tpu.memref_slice %dma_wait3A_90[%add3A_25, %dma_wait3A_91, %dma_wait3A_92] : memref<5x50x40xi32, #tpu.memory_space<hbm>> -> memref<1x50x40xi32, #tpu.memory_space<hbm>>
        %dma_wait3A_94 = tpu.memref_squeeze %dma_wait3A_93 : memref<1x50x40xi32, #tpu.memory_space<hbm>> -> memref<50x40xi32, #tpu.memory_space<hbm>>
        tpu.wait_dma2 semaphore(%run_scoped3A_58 : memref<!tpu.dma_semaphore, #tpu.memory_space<semaphore_mem>>) src(%dma_wait3A_94 : memref<50x40xi32, #tpu.memory_space<hbm>>) dst(%arg7 : memref<50x40xi32, #tpu.memory_space<vmem>>)
        tpu.yield
      }) : () -> ()
      "tpu.region"() ({
        %run_scoped3A_58 = tpu.sem_alloc : memref<!tpu.dma_semaphore, #tpu.memory_space<semaphore_mem>>
        %dma_start3A_59 = arith.constant 0 : i32
        %dma_start3A_60 = arith.constant 0 : i32
        %dma_start3A_61 = arith.constant 0 : i32
        %dma_start3A_62 = tpu.memref_slice %arg4[%add3A, %dma_start3A_59, %dma_start3A_60, %dma_start3A_61] : memref<32x5x50x40xi32, #tpu.memory_space<hbm>> -> memref<1x5x50x40xi32, #tpu.memory_space<hbm>>
        %dma_start3A_63 = tpu.memref_squeeze %dma_start3A_62 : memref<1x5x50x40xi32, #tpu.memory_space<hbm>> -> memref<5x50x40xi32, #tpu.memory_space<hbm>>
        %dma_start3A_64 = arith.constant 0 : i32
        %dma_start3A_65 = arith.constant 0 : i32
        %dma_start3A_66 = tpu.memref_slice %dma_start3A_63[%add3A_25, %dma_start3A_64, %dma_start3A_65] : memref<5x50x40xi32, #tpu.memory_space<hbm>> -> memref<1x50x40xi32, #tpu.memory_space<hbm>>
        %dma_start3A_67 = tpu.memref_squeeze %dma_start3A_66 : memref<1x50x40xi32, #tpu.memory_space<hbm>> -> memref<50x40xi32, #tpu.memory_space<hbm>>
        %dma_start3A_68 = arith.constant 0 : i32
        %dma_start3A_69 = arith.constant 0 : i32
        %dma_start3A_70 = arith.constant 0 : i32
        %dma_start3A_71 = tpu.memref_slice %arg4[%add3A, %dma_start3A_68, %dma_start3A_69, %dma_start3A_70] : memref<32x5x50x40xi32, #tpu.memory_space<hbm>> -> memref<1x5x50x40xi32, #tpu.memory_space<hbm>>
        %dma_start3A_72 = tpu.memref_squeeze %dma_start3A_71 : memref<1x5x50x40xi32, #tpu.memory_space<hbm>> -> memref<5x50x40xi32, #tpu.memory_space<hbm>>
        %dma_start3A_73 = arith.constant 0 : i32
        %dma_start3A_74 = arith.constant 0 : i32
        %dma_start3A_75 = tpu.memref_slice %dma_start3A_72[%add3A_25, %dma_start3A_73, %dma_start3A_74] : memref<5x50x40xi32, #tpu.memory_space<hbm>> -> memref<1x50x40xi32, #tpu.memory_space<hbm>>
        %dma_start3A_76 = tpu.memref_squeeze %dma_start3A_75 : memref<1x50x40xi32, #tpu.memory_space<hbm>> -> memref<50x40xi32, #tpu.memory_space<hbm>>
        tpu.enqueue_dma source(%dma_start3A_76 : memref<50x40xi32, #tpu.memory_space<hbm>>) target(%arg8 : memref<50x40xi32, #tpu.memory_space<vmem>>) target_semaphore(%run_scoped3A_58 : memref<!tpu.dma_semaphore, #tpu.memory_space<semaphore_mem>>)
        %dma_wait3A_77 = arith.constant 0 : i32
        %dma_wait3A_78 = arith.constant 0 : i32
        %dma_wait3A_79 = arith.constant 0 : i32
        %dma_wait3A_80 = tpu.memref_slice %arg4[%add3A, %dma_wait3A_77, %dma_wait3A_78, %dma_wait3A_79] : memref<32x5x50x40xi32, #tpu.memory_space<hbm>> -> memref<1x5x50x40xi32, #tpu.memory_space<hbm>>
        %dma_wait3A_81 = tpu.memref_squeeze %dma_wait3A_80 : memref<1x5x50x40xi32, #tpu.memory_space<hbm>> -> memref<5x50x40xi32, #tpu.memory_space<hbm>>
        %dma_wait3A_82 = arith.constant 0 : i32
        %dma_wait3A_83 = arith.constant 0 : i32
        %dma_wait3A_84 = tpu.memref_slice %dma_wait3A_81[%add3A_25, %dma_wait3A_82, %dma_wait3A_83] : memref<5x50x40xi32, #tpu.memory_space<hbm>> -> memref<1x50x40xi32, #tpu.memory_space<hbm>>
        %dma_wait3A_85 = tpu.memref_squeeze %dma_wait3A_84 : memref<1x50x40xi32, #tpu.memory_space<hbm>> -> memref<50x40xi32, #tpu.memory_space<hbm>>
        %dma_wait3A_86 = arith.constant 0 : i32
        %dma_wait3A_87 = arith.constant 0 : i32
        %dma_wait3A_88 = arith.constant 0 : i32
        %dma_wait3A_89 = tpu.memref_slice %arg4[%add3A, %dma_wait3A_86, %dma_wait3A_87, %dma_wait3A_88] : memref<32x5x50x40xi32, #tpu.memory_space<hbm>> -> memref<1x5x50x40xi32, #tpu.memory_space<hbm>>
        %dma_wait3A_90 = tpu.memref_squeeze %dma_wait3A_89 : memref<1x5x50x40xi32, #tpu.memory_space<hbm>> -> memref<5x50x40xi32, #tpu.memory_space<hbm>>
        %dma_wait3A_91 = arith.constant 0 : i32
        %dma_wait3A_92 = arith.constant 0 : i32
        %dma_wait3A_93 = tpu.memref_slice %dma_wait3A_90[%add3A_25, %dma_wait3A_91, %dma_wait3A_92] : memref<5x50x40xi32, #tpu.memory_space<hbm>> -> memref<1x50x40xi32, #tpu.memory_space<hbm>>
        %dma_wait3A_94 = tpu.memref_squeeze %dma_wait3A_93 : memref<1x50x40xi32, #tpu.memory_space<hbm>> -> memref<50x40xi32, #tpu.memory_space<hbm>>
        tpu.wait_dma2 semaphore(%run_scoped3A_58 : memref<!tpu.dma_semaphore, #tpu.memory_space<semaphore_mem>>) src(%dma_wait3A_94 : memref<50x40xi32, #tpu.memory_space<hbm>>) dst(%arg8 : memref<50x40xi32, #tpu.memory_space<vmem>>)
        tpu.yield
      }) : () -> ()
      %dma_start3A = arith.constant 0 : i32
      %dma_start3A_26 = arith.constant 0 : i32
      %dma_start3A_27 = tpu.memref_slice %arg7[%dma_start3A, %dma_start3A_26] : memref<50x40xi32, #tpu.memory_space<vmem>> -> memref<1x40xi32, #tpu.memory_space<vmem>>
      %dma_start3A_28 = tpu.memref_squeeze %dma_start3A_27 : memref<1x40xi32, #tpu.memory_space<vmem>> -> memref<40xi32, #tpu.memory_space<vmem>>
      %dma_start3A_29 = arith.constant 0 : i32
      %dma_start3A_30 = arith.constant 0 : i32
      %dma_start3A_31 = tpu.memref_slice %arg2[%dma_start3A_29, %dma_start3A_30] : memref<10000x128xf32, #tpu.memory_space<hbm>> -> memref<10000x128xf32, #tpu.memory_space<hbm>>
      tpu.enqueue_indirect_dma source(%dma_start3A_31 : memref<10000x128xf32, #tpu.memory_space<hbm>>) target(%arg9 : memref<40x128xf32, #tpu.memory_space<vmem>>) offsets(%dma_start3A_28 : memref<40xi32, #tpu.memory_space<vmem>>) semaphore(%arg12 : memref<!tpu.dma_semaphore, #tpu.memory_space<semaphore_mem>>)
      %scan3A_32 = arith.constant 0 : i32
      %scan3A_33 = arith.constant 24 : i32
      %scan3A_34 = arith.addi %scan3A_32, %scan3A_33 : i32
      %scan3A_35 = arith.constant 1 : i32
      scf.for %scan3A_58 = %scan3A_32 to %scan3A_34 step %scan3A_35  : i32 {
        %mul3A_59 = arith.constant 2 : i32
        %mul3A_60 = arith.muli %scan3A_58, %mul3A_59 : i32
        %add3A_61 = arith.constant 0 : i32
        %add3A_62 = arith.addi %add3A_61, %mul3A_60 : i32
        %add3A_63 = arith.constant 1 : i32
        %add3A_64 = arith.addi %add3A_62, %add3A_63 : i32
        %dma_start3A_65 = arith.constant 0 : i32
        %dma_start3A_66 = tpu.memref_slice %arg7[%add3A_64, %dma_start3A_65] : memref<50x40xi32, #tpu.memory_space<vmem>> -> memref<1x40xi32, #tpu.memory_space<vmem>>
        %dma_start3A_67 = tpu.memref_squeeze %dma_start3A_66 : memref<1x40xi32, #tpu.memory_space<vmem>> -> memref<40xi32, #tpu.memory_space<vmem>>
        %dma_start3A_68 = arith.constant 0 : i32
        %dma_start3A_69 = arith.constant 0 : i32
        %dma_start3A_70 = tpu.memref_slice %arg2[%dma_start3A_68, %dma_start3A_69] : memref<10000x128xf32, #tpu.memory_space<hbm>> -> memref<10000x128xf32, #tpu.memory_space<hbm>>
        tpu.enqueue_indirect_dma source(%dma_start3A_70 : memref<10000x128xf32, #tpu.memory_space<hbm>>) target(%arg10 : memref<40x128xf32, #tpu.memory_space<vmem>>) offsets(%dma_start3A_67 : memref<40xi32, #tpu.memory_space<vmem>>) semaphore(%arg13 : memref<!tpu.dma_semaphore, #tpu.memory_space<semaphore_mem>>)
        %dma_wait3A_71 = arith.constant 0 : i32
        %dma_wait3A_72 = tpu.memref_slice %arg7[%add3A_62, %dma_wait3A_71] : memref<50x40xi32, #tpu.memory_space<vmem>> -> memref<1x40xi32, #tpu.memory_space<vmem>>
        %dma_wait3A_73 = tpu.memref_squeeze %dma_wait3A_72 : memref<1x40xi32, #tpu.memory_space<vmem>> -> memref<40xi32, #tpu.memory_space<vmem>>
        %dma_wait3A_74 = arith.constant 0 : i32
        %dma_wait3A_75 = arith.constant 0 : i32
        %dma_wait3A_76 = tpu.memref_slice %arg2[%dma_wait3A_74, %dma_wait3A_75] : memref<10000x128xf32, #tpu.memory_space<hbm>> -> memref<10000x128xf32, #tpu.memory_space<hbm>>
        tpu.wait_indirect_dma semaphore(%arg12 : memref<!tpu.dma_semaphore, #tpu.memory_space<semaphore_mem>>) src(%dma_wait3A_76 : memref<10000x128xf32, #tpu.memory_space<hbm>>) dst(%arg9 : memref<40x128xf32, #tpu.memory_space<vmem>>)
        "tpu.region"() ({
          %run_scoped3A_95 = tpu.sem_alloc : memref<!tpu.dma_semaphore, #tpu.memory_space<semaphore_mem>>
          %dma_start3A_96 = arith.constant 0 : i32
          %dma_start3A_97 = tpu.memref_slice %arg8[%add3A_62, %dma_start3A_96] : memref<50x40xi32, #tpu.memory_space<vmem>> -> memref<1x40xi32, #tpu.memory_space<vmem>>
          %dma_start3A_98 = tpu.memref_squeeze %dma_start3A_97 : memref<1x40xi32, #tpu.memory_space<vmem>> -> memref<40xi32, #tpu.memory_space<vmem>>
          %dma_start3A_99 = arith.constant 0 : i32
          %dma_start3A_100 = arith.constant 0 : i32
          %dma_start3A_101 = tpu.memref_slice %arg11[%dma_start3A_99, %dma_start3A_100] : memref<10000x128xf32, #tpu.memory_space<vmem_shared>> -> memref<10000x128xf32, #tpu.memory_space<vmem_shared>>
          tpu.enqueue_indirect_dma source(%arg9 : memref<40x128xf32, #tpu.memory_space<vmem>>) target(%dma_start3A_101 : memref<10000x128xf32, #tpu.memory_space<vmem_shared>>) offsets(%dma_start3A_98 : memref<40xi32, #tpu.memory_space<vmem>>) semaphore(%run_scoped3A_95 : memref<!tpu.dma_semaphore, #tpu.memory_space<semaphore_mem>>) {add = true}
          %dma_wait3A_102 = arith.constant 0 : i32
          %dma_wait3A_103 = tpu.memref_slice %arg8[%add3A_62, %dma_wait3A_102] : memref<50x40xi32, #tpu.memory_space<vmem>> -> memref<1x40xi32, #tpu.memory_space<vmem>>
          %dma_wait3A_104 = tpu.memref_squeeze %dma_wait3A_103 : memref<1x40xi32, #tpu.memory_space<vmem>> -> memref<40xi32, #tpu.memory_space<vmem>>
          %dma_wait3A_105 = arith.constant 0 : i32
          %dma_wait3A_106 = arith.constant 0 : i32
          %dma_wait3A_107 = tpu.memref_slice %arg11[%dma_wait3A_105, %dma_wait3A_106] : memref<10000x128xf32, #tpu.memory_space<vmem_shared>> -> memref<10000x128xf32, #tpu.memory_space<vmem_shared>>
          tpu.wait_indirect_dma semaphore(%run_scoped3A_95 : memref<!tpu.dma_semaphore, #tpu.memory_space<semaphore_mem>>) src(%arg9 : memref<40x128xf32, #tpu.memory_space<vmem>>) dst(%dma_wait3A_107 : memref<10000x128xf32, #tpu.memory_space<vmem_shared>>)
          tpu.yield
        }) : () -> ()
        %add3A_77 = arith.constant 2 : i32
        %add3A_78 = arith.addi %add3A_62, %add3A_77 : i32
        %dma_start3A_79 = arith.constant 0 : i32
        %dma_start3A_80 = tpu.memref_slice %arg7[%add3A_78, %dma_start3A_79] : memref<50x40xi32, #tpu.memory_space<vmem>> -> memref<1x40xi32, #tpu.memory_space<vmem>>
        %dma_start3A_81 = tpu.memref_squeeze %dma_start3A_80 : memref<1x40xi32, #tpu.memory_space<vmem>> -> memref<40xi32, #tpu.memory_space<vmem>>
        %dma_start3A_82 = arith.constant 0 : i32
        %dma_start3A_83 = arith.constant 0 : i32
        %dma_start3A_84 = tpu.memref_slice %arg2[%dma_start3A_82, %dma_start3A_83] : memref<10000x128xf32, #tpu.memory_space<hbm>> -> memref<10000x128xf32, #tpu.memory_space<hbm>>
        tpu.enqueue_indirect_dma source(%dma_start3A_84 : memref<10000x128xf32, #tpu.memory_space<hbm>>) target(%arg9 : memref<40x128xf32, #tpu.memory_space<vmem>>) offsets(%dma_start3A_81 : memref<40xi32, #tpu.memory_space<vmem>>) semaphore(%arg12 : memref<!tpu.dma_semaphore, #tpu.memory_space<semaphore_mem>>)
        %add3A_85 = arith.constant 1 : i32
        %add3A_86 = arith.addi %add3A_62, %add3A_85 : i32
        %dma_wait3A_87 = arith.constant 0 : i32
        %dma_wait3A_88 = tpu.memref_slice %arg7[%add3A_86, %dma_wait3A_87] : memref<50x40xi32, #tpu.memory_space<vmem>> -> memref<1x40xi32, #tpu.memory_space<vmem>>
        %dma_wait3A_89 = tpu.memref_squeeze %dma_wait3A_88 : memref<1x40xi32, #tpu.memory_space<vmem>> -> memref<40xi32, #tpu.memory_space<vmem>>
        %dma_wait3A_90 = arith.constant 0 : i32
        %dma_wait3A_91 = arith.constant 0 : i32
        %dma_wait3A_92 = tpu.memref_slice %arg2[%dma_wait3A_90, %dma_wait3A_91] : memref<10000x128xf32, #tpu.memory_space<hbm>> -> memref<10000x128xf32, #tpu.memory_space<hbm>>
        tpu.wait_indirect_dma semaphore(%arg13 : memref<!tpu.dma_semaphore, #tpu.memory_space<semaphore_mem>>) src(%dma_wait3A_92 : memref<10000x128xf32, #tpu.memory_space<hbm>>) dst(%arg10 : memref<40x128xf32, #tpu.memory_space<vmem>>)
        %add3A_93 = arith.constant 1 : i32
        %add3A_94 = arith.addi %add3A_62, %add3A_93 : i32
        "tpu.region"() ({
          %run_scoped3A_95 = tpu.sem_alloc : memref<!tpu.dma_semaphore, #tpu.memory_space<semaphore_mem>>
          %dma_start3A_96 = arith.constant 0 : i32
          %dma_start3A_97 = tpu.memref_slice %arg8[%add3A_94, %dma_start3A_96] : memref<50x40xi32, #tpu.memory_space<vmem>> -> memref<1x40xi32, #tpu.memory_space<vmem>>
          %dma_start3A_98 = tpu.memref_squeeze %dma_start3A_97 : memref<1x40xi32, #tpu.memory_space<vmem>> -> memref<40xi32, #tpu.memory_space<vmem>>
          %dma_start3A_99 = arith.constant 0 : i32
          %dma_start3A_100 = arith.constant 0 : i32
          %dma_start3A_101 = tpu.memref_slice %arg11[%dma_start3A_99, %dma_start3A_100] : memref<10000x128xf32, #tpu.memory_space<vmem_shared>> -> memref<10000x128xf32, #tpu.memory_space<vmem_shared>>
          tpu.enqueue_indirect_dma source(%arg10 : memref<40x128xf32, #tpu.memory_space<vmem>>) target(%dma_start3A_101 : memref<10000x128xf32, #tpu.memory_space<vmem_shared>>) offsets(%dma_start3A_98 : memref<40xi32, #tpu.memory_space<vmem>>) semaphore(%run_scoped3A_95 : memref<!tpu.dma_semaphore, #tpu.memory_space<semaphore_mem>>) {add = true}
          %dma_wait3A_102 = arith.constant 0 : i32
          %dma_wait3A_103 = tpu.memref_slice %arg8[%add3A_94, %dma_wait3A_102] : memref<50x40xi32, #tpu.memory_space<vmem>> -> memref<1x40xi32, #tpu.memory_space<vmem>>
          %dma_wait3A_104 = tpu.memref_squeeze %dma_wait3A_103 : memref<1x40xi32, #tpu.memory_space<vmem>> -> memref<40xi32, #tpu.memory_space<vmem>>
          %dma_wait3A_105 = arith.constant 0 : i32
          %dma_wait3A_106 = arith.constant 0 : i32
          %dma_wait3A_107 = tpu.memref_slice %arg11[%dma_wait3A_105, %dma_wait3A_106] : memref<10000x128xf32, #tpu.memory_space<vmem_shared>> -> memref<10000x128xf32, #tpu.memory_space<vmem_shared>>
          tpu.wait_indirect_dma semaphore(%run_scoped3A_95 : memref<!tpu.dma_semaphore, #tpu.memory_space<semaphore_mem>>) src(%arg10 : memref<40x128xf32, #tpu.memory_space<vmem>>) dst(%dma_wait3A_107 : memref<10000x128xf32, #tpu.memory_space<vmem_shared>>)
          tpu.yield
        }) : () -> ()
      }
      %scan3A_36 = arith.constant 24 : i32
      %dma_start3A_37 = arith.constant 49 : i32
      %dma_start3A_38 = arith.constant 0 : i32
      %dma_start3A_39 = tpu.memref_slice %arg7[%dma_start3A_37, %dma_start3A_38] : memref<50x40xi32, #tpu.memory_space<vmem>> -> memref<1x40xi32, #tpu.memory_space<vmem>>
      %dma_start3A_40 = tpu.memref_squeeze %dma_start3A_39 : memref<1x40xi32, #tpu.memory_space<vmem>> -> memref<40xi32, #tpu.memory_space<vmem>>
      %dma_start3A_41 = arith.constant 0 : i32
      %dma_start3A_42 = arith.constant 0 : i32
      %dma_start3A_43 = tpu.memref_slice %arg2[%dma_start3A_41, %dma_start3A_42] : memref<10000x128xf32, #tpu.memory_space<hbm>> -> memref<10000x128xf32, #tpu.memory_space<hbm>>
      tpu.enqueue_indirect_dma source(%dma_start3A_43 : memref<10000x128xf32, #tpu.memory_space<hbm>>) target(%arg10 : memref<40x128xf32, #tpu.memory_space<vmem>>) offsets(%dma_start3A_40 : memref<40xi32, #tpu.memory_space<vmem>>) semaphore(%arg13 : memref<!tpu.dma_semaphore, #tpu.memory_space<semaphore_mem>>)
      %dma_wait3A = arith.constant 48 : i32
      %dma_wait3A_44 = arith.constant 0 : i32
      %dma_wait3A_45 = tpu.memref_slice %arg7[%dma_wait3A, %dma_wait3A_44] : memref<50x40xi32, #tpu.memory_space<vmem>> -> memref<1x40xi32, #tpu.memory_space<vmem>>
      %dma_wait3A_46 = tpu.memref_squeeze %dma_wait3A_45 : memref<1x40xi32, #tpu.memory_space<vmem>> -> memref<40xi32, #tpu.memory_space<vmem>>
      %dma_wait3A_47 = arith.constant 0 : i32
      %dma_wait3A_48 = arith.constant 0 : i32
      %dma_wait3A_49 = tpu.memref_slice %arg2[%dma_wait3A_47, %dma_wait3A_48] : memref<10000x128xf32, #tpu.memory_space<hbm>> -> memref<10000x128xf32, #tpu.memory_space<hbm>>
      tpu.wait_indirect_dma semaphore(%arg12 : memref<!tpu.dma_semaphore, #tpu.memory_space<semaphore_mem>>) src(%dma_wait3A_49 : memref<10000x128xf32, #tpu.memory_space<hbm>>) dst(%arg9 : memref<40x128xf32, #tpu.memory_space<vmem>>)
      %run_scoped3A = arith.constant 48 : i32
      "tpu.region"() ({
        %run_scoped3A_58 = tpu.sem_alloc : memref<!tpu.dma_semaphore, #tpu.memory_space<semaphore_mem>>
        %dma_start3A_59 = arith.constant 0 : i32
        %dma_start3A_60 = tpu.memref_slice %arg8[%run_scoped3A, %dma_start3A_59] : memref<50x40xi32, #tpu.memory_space<vmem>> -> memref<1x40xi32, #tpu.memory_space<vmem>>
        %dma_start3A_61 = tpu.memref_squeeze %dma_start3A_60 : memref<1x40xi32, #tpu.memory_space<vmem>> -> memref<40xi32, #tpu.memory_space<vmem>>
        %dma_start3A_62 = arith.constant 0 : i32
        %dma_start3A_63 = arith.constant 0 : i32
        %dma_start3A_64 = tpu.memref_slice %arg11[%dma_start3A_62, %dma_start3A_63] : memref<10000x128xf32, #tpu.memory_space<vmem_shared>> -> memref<10000x128xf32, #tpu.memory_space<vmem_shared>>
        tpu.enqueue_indirect_dma source(%arg9 : memref<40x128xf32, #tpu.memory_space<vmem>>) target(%dma_start3A_64 : memref<10000x128xf32, #tpu.memory_space<vmem_shared>>) offsets(%dma_start3A_61 : memref<40xi32, #tpu.memory_space<vmem>>) semaphore(%run_scoped3A_58 : memref<!tpu.dma_semaphore, #tpu.memory_space<semaphore_mem>>) {add = true}
        %dma_wait3A_65 = arith.constant 0 : i32
        %dma_wait3A_66 = tpu.memref_slice %arg8[%run_scoped3A, %dma_wait3A_65] : memref<50x40xi32, #tpu.memory_space<vmem>> -> memref<1x40xi32, #tpu.memory_space<vmem>>
        %dma_wait3A_67 = tpu.memref_squeeze %dma_wait3A_66 : memref<1x40xi32, #tpu.memory_space<vmem>> -> memref<40xi32, #tpu.memory_space<vmem>>
        %dma_wait3A_68 = arith.constant 0 : i32
        %dma_wait3A_69 = arith.constant 0 : i32
        %dma_wait3A_70 = tpu.memref_slice %arg11[%dma_wait3A_68, %dma_wait3A_69] : memref<10000x128xf32, #tpu.memory_space<vmem_shared>> -> memref<10000x128xf32, #tpu.memory_space<vmem_shared>>
        tpu.wait_indirect_dma semaphore(%run_scoped3A_58 : memref<!tpu.dma_semaphore, #tpu.memory_space<semaphore_mem>>) src(%arg9 : memref<40x128xf32, #tpu.memory_space<vmem>>) dst(%dma_wait3A_70 : memref<10000x128xf32, #tpu.memory_space<vmem_shared>>)
        tpu.yield
      }) : () -> ()
      %dma_wait3A_50 = arith.constant 49 : i32
      %dma_wait3A_51 = arith.constant 0 : i32
      %dma_wait3A_52 = tpu.memref_slice %arg7[%dma_wait3A_50, %dma_wait3A_51] : memref<50x40xi32, #tpu.memory_space<vmem>> -> memref<1x40xi32, #tpu.memory_space<vmem>>
      %dma_wait3A_53 = tpu.memref_squeeze %dma_wait3A_52 : memref<1x40xi32, #tpu.memory_space<vmem>> -> memref<40xi32, #tpu.memory_space<vmem>>
      %dma_wait3A_54 = arith.constant 0 : i32
      %dma_wait3A_55 = arith.constant 0 : i32
      %dma_wait3A_56 = tpu.memref_slice %arg2[%dma_wait3A_54, %dma_wait3A_55] : memref<10000x128xf32, #tpu.memory_space<hbm>> -> memref<10000x128xf32, #tpu.memory_space<hbm>>
      tpu.wait_indirect_dma semaphore(%arg13 : memref<!tpu.dma_semaphore, #tpu.memory_space<semaphore_mem>>) src(%dma_wait3A_56 : memref<10000x128xf32, #tpu.memory_space<hbm>>) dst(%arg10 : memref<40x128xf32, #tpu.memory_space<vmem>>)
      %run_scoped3A_57 = arith.constant 49 : i32
      "tpu.region"() ({
        %run_scoped3A_58 = tpu.sem_alloc : memref<!tpu.dma_semaphore, #tpu.memory_space<semaphore_mem>>
        %dma_start3A_59 = arith.constant 0 : i32
        %dma_start3A_60 = tpu.memref_slice %arg8[%run_scoped3A_57, %dma_start3A_59] : memref<50x40xi32, #tpu.memory_space<vmem>> -> memref<1x40xi32, #tpu.memory_space<vmem>>
        %dma_start3A_61 = tpu.memref_squeeze %dma_start3A_60 : memref<1x40xi32, #tpu.memory_space<vmem>> -> memref<40xi32, #tpu.memory_space<vmem>>
        %dma_start3A_62 = arith.constant 0 : i32
        %dma_start3A_63 = arith.constant 0 : i32
        %dma_start3A_64 = tpu.memref_slice %arg11[%dma_start3A_62, %dma_start3A_63] : memref<10000x128xf32, #tpu.memory_space<vmem_shared>> -> memref<10000x128xf32, #tpu.memory_space<vmem_shared>>
        tpu.enqueue_indirect_dma source(%arg10 : memref<40x128xf32, #tpu.memory_space<vmem>>) target(%dma_start3A_64 : memref<10000x128xf32, #tpu.memory_space<vmem_shared>>) offsets(%dma_start3A_61 : memref<40xi32, #tpu.memory_space<vmem>>) semaphore(%run_scoped3A_58 : memref<!tpu.dma_semaphore, #tpu.memory_space<semaphore_mem>>) {add = true}
        %dma_wait3A_65 = arith.constant 0 : i32
        %dma_wait3A_66 = tpu.memref_slice %arg8[%run_scoped3A_57, %dma_wait3A_65] : memref<50x40xi32, #tpu.memory_space<vmem>> -> memref<1x40xi32, #tpu.memory_space<vmem>>
        %dma_wait3A_67 = tpu.memref_squeeze %dma_wait3A_66 : memref<1x40xi32, #tpu.memory_space<vmem>> -> memref<40xi32, #tpu.memory_space<vmem>>
        %dma_wait3A_68 = arith.constant 0 : i32
        %dma_wait3A_69 = arith.constant 0 : i32
        %dma_wait3A_70 = tpu.memref_slice %arg11[%dma_wait3A_68, %dma_wait3A_69] : memref<10000x128xf32, #tpu.memory_space<vmem_shared>> -> memref<10000x128xf32, #tpu.memory_space<vmem_shared>>
        tpu.wait_indirect_dma semaphore(%run_scoped3A_58 : memref<!tpu.dma_semaphore, #tpu.memory_space<semaphore_mem>>) src(%arg10 : memref<40x128xf32, #tpu.memory_space<vmem>>) dst(%dma_wait3A_70 : memref<10000x128xf32, #tpu.memory_space<vmem_shared>>)
        tpu.yield
      }) : () -> ()
    }
    %scan3A_10 = arith.constant 5 : i32
    %barrier3A_11 = arith.constant 0 : index
    tpu.barrier barrier_id(%barrier3A_11)
    %mul3A_12 = arith.constant 624 : i32
    %mul3A_13 = arith.muli %arg1, %mul3A_12 : i32
    %mul3A_14 = arith.constant 624 : i32
    %mul3A_15 = arith.muli %arg1, %mul3A_14 : i32
    "tpu.region"() ({
      %run_scoped3A = tpu.sem_alloc : memref<!tpu.dma_semaphore, #tpu.memory_space<semaphore_mem>>
      %dma_start3A = arith.constant 0 : i32
      %dma_start3A_21 = arith.constant 0 : i32
      %dma_start3A_22 = tpu.memref_slice %arg6[%arg0, %dma_start3A, %dma_start3A_21] : memref<2x10000x128xf32, #tpu.memory_space<hbm>> -> memref<1x10000x128xf32, #tpu.memory_space<hbm>>
      %dma_start3A_23 = tpu.memref_squeeze %dma_start3A_22 : memref<1x10000x128xf32, #tpu.memory_space<hbm>> -> memref<10000x128xf32, #tpu.memory_space<hbm>>
      %dma_start3A_24 = arith.constant 0 : i32
      %dma_start3A_25 = tpu.memref_slice %dma_start3A_23[%mul3A_15, %dma_start3A_24] : memref<10000x128xf32, #tpu.memory_space<hbm>> -> memref<624x128xf32, #tpu.memory_space<hbm>>
      %dma_start3A_26 = arith.constant 0 : i32
      %dma_start3A_27 = tpu.memref_slice %arg11[%mul3A_13, %dma_start3A_26] : memref<10000x128xf32, #tpu.memory_space<vmem_shared>> -> memref<624x128xf32, #tpu.memory_space<vmem_shared>>
      tpu.enqueue_dma source(%dma_start3A_27 : memref<624x128xf32, #tpu.memory_space<vmem_shared>>) target(%dma_start3A_25 : memref<624x128xf32, #tpu.memory_space<hbm>>) target_semaphore(%run_scoped3A : memref<!tpu.dma_semaphore, #tpu.memory_space<semaphore_mem>>)
      %dma_wait3A = arith.constant 0 : i32
      %dma_wait3A_28 = arith.constant 0 : i32
      %dma_wait3A_29 = tpu.memref_slice %arg6[%arg0, %dma_wait3A, %dma_wait3A_28] : memref<2x10000x128xf32, #tpu.memory_space<hbm>> -> memref<1x10000x128xf32, #tpu.memory_space<hbm>>
      %dma_wait3A_30 = tpu.memref_squeeze %dma_wait3A_29 : memref<1x10000x128xf32, #tpu.memory_space<hbm>> -> memref<10000x128xf32, #tpu.memory_space<hbm>>
      %dma_wait3A_31 = arith.constant 0 : i32
      %dma_wait3A_32 = tpu.memref_slice %dma_wait3A_30[%mul3A_15, %dma_wait3A_31] : memref<10000x128xf32, #tpu.memory_space<hbm>> -> memref<624x128xf32, #tpu.memory_space<hbm>>
      %dma_wait3A_33 = arith.constant 0 : i32
      %dma_wait3A_34 = tpu.memref_slice %arg11[%mul3A_13, %dma_wait3A_33] : memref<10000x128xf32, #tpu.memory_space<vmem_shared>> -> memref<624x128xf32, #tpu.memory_space<vmem_shared>>
      tpu.wait_dma2 semaphore(%run_scoped3A : memref<!tpu.dma_semaphore, #tpu.memory_space<semaphore_mem>>) src(%dma_wait3A_34 : memref<624x128xf32, #tpu.memory_space<vmem_shared>>) dst(%dma_wait3A_32 : memref<624x128xf32, #tpu.memory_space<hbm>>)
      tpu.yield
    }) : () -> ()
    %eq3A_16 = arith.constant 15 : i32
    %eq3A_17 = arith.cmpi eq, %arg1, %eq3A_16 : i32
    %convert_element_type3A_18 = arith.extui %eq3A_17 : i1 to i32
    %cond3A_19 = arith.constant 0 : i32
    %cond3A_20 = arith.cmpi ne, %convert_element_type3A_18, %cond3A_19 : i32
    scf.if %cond3A_20 {
      "tpu.region"() ({
        %run_scoped3A = tpu.sem_alloc : memref<!tpu.dma_semaphore, #tpu.memory_space<semaphore_mem>>
        %dma_start3A = arith.constant 0 : i32
        %dma_start3A_21 = arith.constant 0 : i32
        %dma_start3A_22 = tpu.memref_slice %arg6[%arg0, %dma_start3A, %dma_start3A_21] : memref<2x10000x128xf32, #tpu.memory_space<hbm>> -> memref<1x10000x128xf32, #tpu.memory_space<hbm>>
        %dma_start3A_23 = tpu.memref_squeeze %dma_start3A_22 : memref<1x10000x128xf32, #tpu.memory_space<hbm>> -> memref<10000x128xf32, #tpu.memory_space<hbm>>
        %dma_start3A_24 = arith.constant 9984 : i32
        %dma_start3A_25 = arith.constant 0 : i32
        %dma_start3A_26 = tpu.memref_slice %dma_start3A_23[%dma_start3A_24, %dma_start3A_25] : memref<10000x128xf32, #tpu.memory_space<hbm>> -> memref<16x128xf32, #tpu.memory_space<hbm>>
        %dma_start3A_27 = arith.constant 9984 : i32
        %dma_start3A_28 = arith.constant 0 : i32
        %dma_start3A_29 = tpu.memref_slice %arg11[%dma_start3A_27, %dma_start3A_28] : memref<10000x128xf32, #tpu.memory_space<vmem_shared>> -> memref<16x128xf32, #tpu.memory_space<vmem_shared>>
        tpu.enqueue_dma source(%dma_start3A_29 : memref<16x128xf32, #tpu.memory_space<vmem_shared>>) target(%dma_start3A_26 : memref<16x128xf32, #tpu.memory_space<hbm>>) target_semaphore(%run_scoped3A : memref<!tpu.dma_semaphore, #tpu.memory_space<semaphore_mem>>)
        %dma_wait3A = arith.constant 0 : i32
        %dma_wait3A_30 = arith.constant 0 : i32
        %dma_wait3A_31 = tpu.memref_slice %arg6[%arg0, %dma_wait3A, %dma_wait3A_30] : memref<2x10000x128xf32, #tpu.memory_space<hbm>> -> memref<1x10000x128xf32, #tpu.memory_space<hbm>>
        %dma_wait3A_32 = tpu.memref_squeeze %dma_wait3A_31 : memref<1x10000x128xf32, #tpu.memory_space<hbm>> -> memref<10000x128xf32, #tpu.memory_space<hbm>>
        %dma_wait3A_33 = arith.constant 9984 : i32
        %dma_wait3A_34 = arith.constant 0 : i32
        %dma_wait3A_35 = tpu.memref_slice %dma_wait3A_32[%dma_wait3A_33, %dma_wait3A_34] : memref<10000x128xf32, #tpu.memory_space<hbm>> -> memref<16x128xf32, #tpu.memory_space<hbm>>
        %dma_wait3A_36 = arith.constant 9984 : i32
        %dma_wait3A_37 = arith.constant 0 : i32
        %dma_wait3A_38 = tpu.memref_slice %arg11[%dma_wait3A_36, %dma_wait3A_37] : memref<10000x128xf32, #tpu.memory_space<vmem_shared>> -> memref<16x128xf32, #tpu.memory_space<vmem_shared>>
        tpu.wait_dma2 semaphore(%run_scoped3A : memref<!tpu.dma_semaphore, #tpu.memory_space<semaphore_mem>>) src(%dma_wait3A_38 : memref<16x128xf32, #tpu.memory_space<vmem_shared>>) dst(%dma_wait3A_35 : memref<16x128xf32, #tpu.memory_space<hbm>>)
        tpu.yield
      }) : () -> ()
    } else {
    }
    return
  }
}

module attributes {stable_mosaic.version = 14 : i64} {
  func.func @_layer_body(%arg0: memref<10000x128xf32, #tpu.memory_space<vmem>>, %arg1: memref<2x10000x128xf32, #tpu.memory_space<vmem>>, %arg2: memref<1x1xf32, #tpu.memory_space<vmem>>, %arg3: memref<128x128xf32, #tpu.memory_space<vmem>>, %arg4: memref<1x128xf32, #tpu.memory_space<vmem>>, %arg5: memref<128x128xf32, #tpu.memory_space<vmem>>, %arg6: memref<1x128xf32, #tpu.memory_space<vmem>>, %arg7: memref<1x128xf32, #tpu.memory_space<vmem>>, %arg8: memref<1x128xf32, #tpu.memory_space<vmem>>, %arg9: memref<10000x128xf32, #tpu.memory_space<vmem>>) attributes {dimension_semantics = [], scalar_prefetch = 0 : i64, scratch_operands = 0 : i64, tpu.core_type = #tpu.core_type<tc>} {
    %get3A = arith.constant 0 : index
    %get3A_0 = arith.constant 0 : index
    %get3A_1 = vector.load %arg0[%get3A, %get3A_0] : memref<10000x128xf32, #tpu.memory_space<vmem>>, vector<10000x128xf32>
    %get3A_2 = arith.constant 0 : index
    %get3A_3 = arith.constant 0 : index
    %get3A_4 = vector.load %arg2[%get3A_2, %get3A_3] : memref<1x1xf32, #tpu.memory_space<vmem>>, vector<1x1xf32>
    %mul3A = vector.broadcast %get3A_4 : vector<1x1xf32> to vector<10000x128xf32>
    %mul3A_5 = arith.mulf %get3A_1, %mul3A : vector<10000x128xf32>
    %get3A_6 = arith.constant 0 : index
    %get3A_7 = arith.constant 0 : index
    %get3A_8 = arith.constant 0 : index
    %get3A_9 = vector.load %arg1[%get3A_6, %get3A_7, %get3A_8] : memref<2x10000x128xf32, #tpu.memory_space<vmem>>, vector<1x10000x128xf32>
    %get3A_10 = vector.shape_cast %get3A_9 : vector<1x10000x128xf32> to vector<10000x128xf32>
    %get3A_11 = arith.constant 1 : index
    %get3A_12 = arith.constant 0 : index
    %get3A_13 = arith.constant 0 : index
    %get3A_14 = vector.load %arg1[%get3A_11, %get3A_12, %get3A_13] : memref<2x10000x128xf32, #tpu.memory_space<vmem>>, vector<1x10000x128xf32>
    %get3A_15 = vector.shape_cast %get3A_14 : vector<1x10000x128xf32> to vector<10000x128xf32>
    %add3A = arith.addf %get3A_10, %get3A_15 : vector<10000x128xf32>
    %add3A_16 = arith.addf %mul3A_5, %add3A : vector<10000x128xf32>
    %get3A_17 = arith.constant 0 : index
    %get3A_18 = arith.constant 0 : index
    %get3A_19 = vector.load %arg3[%get3A_17, %get3A_18] : memref<128x128xf32, #tpu.memory_space<vmem>>, vector<128x128xf32>
    %convert_element_type3A = arith.truncf %add3A_16 : vector<10000x128xf32> to vector<10000x128xbf16>
    %convert_element_type3A_20 = arith.truncf %get3A_19 : vector<128x128xf32> to vector<128x128xbf16>
    %dot_general3A = arith.constant dense<0.000000e+00> : vector<10000x128xf32>
    %dot_general3A_21 = tpu.matmul %convert_element_type3A, %convert_element_type3A_20, %dot_general3A {dimension_numbers = #tpu.dot_dimension_numbers<[1], [0], [0], [1], [0, 0, 1, 1], [], []>, transpose_lhs_hint = false} : vector<10000x128xbf16>, vector<128x128xbf16>, vector<10000x128xf32> -> vector<10000x128xf32>
    %get3A_22 = arith.constant 0 : index
    %get3A_23 = arith.constant 0 : index
    %get3A_24 = vector.load %arg4[%get3A_22, %get3A_23] : memref<1x128xf32, #tpu.memory_space<vmem>>, vector<1x128xf32>
    %add3A_25 = vector.broadcast %get3A_24 : vector<1x128xf32> to vector<10000x128xf32>
    %add3A_26 = arith.addf %dot_general3A_21, %add3A_25 : vector<10000x128xf32>
    %max3A = arith.constant 0.000000e+00 : f32
    %max3A_27 = vector.broadcast %max3A : f32 to vector<10000x128xf32>
    %max3A_28 = arith.maximumf %add3A_26, %max3A_27 : vector<10000x128xf32>
    %get3A_29 = arith.constant 0 : index
    %get3A_30 = arith.constant 0 : index
    %get3A_31 = vector.load %arg5[%get3A_29, %get3A_30] : memref<128x128xf32, #tpu.memory_space<vmem>>, vector<128x128xf32>
    %convert_element_type3A_32 = arith.truncf %max3A_28 : vector<10000x128xf32> to vector<10000x128xbf16>
    %convert_element_type3A_33 = arith.truncf %get3A_31 : vector<128x128xf32> to vector<128x128xbf16>
    %dot_general3A_34 = arith.constant dense<0.000000e+00> : vector<10000x128xf32>
    %dot_general3A_35 = tpu.matmul %convert_element_type3A_32, %convert_element_type3A_33, %dot_general3A_34 {dimension_numbers = #tpu.dot_dimension_numbers<[1], [0], [0], [1], [0, 0, 1, 1], [], []>, transpose_lhs_hint = false} : vector<10000x128xbf16>, vector<128x128xbf16>, vector<10000x128xf32> -> vector<10000x128xf32>
    %get3A_36 = arith.constant 0 : index
    %get3A_37 = arith.constant 0 : index
    %get3A_38 = vector.load %arg6[%get3A_36, %get3A_37] : memref<1x128xf32, #tpu.memory_space<vmem>>, vector<1x128xf32>
    %add3A_39 = vector.broadcast %get3A_38 : vector<1x128xf32> to vector<10000x128xf32>
    %add3A_40 = arith.addf %dot_general3A_35, %add3A_39 : vector<10000x128xf32>
    %get3A_41 = arith.constant 0 : index
    %get3A_42 = arith.constant 0 : index
    %get3A_43 = vector.load %arg7[%get3A_41, %get3A_42] : memref<1x128xf32, #tpu.memory_space<vmem>>, vector<1x128xf32>
    %get3A_44 = arith.constant 0 : index
    %get3A_45 = arith.constant 0 : index
    %get3A_46 = vector.load %arg8[%get3A_44, %get3A_45] : memref<1x128xf32, #tpu.memory_space<vmem>>, vector<1x128xf32>
    %reduce_sum3A = arith.constant dense<0.000000e+00> : vector<128xf32>
    %reduce_sum3A_47 = vector.multi_reduction <add>, %add3A_40, %reduce_sum3A [0] : vector<10000x128xf32> to vector<128xf32>
    %broadcast_in_dim3A = vector.shape_cast %reduce_sum3A_47 : vector<128xf32> to vector<1x128xf32>
    %div3A = arith.constant 1.000000e+04 : f32
    %div3A_48 = vector.broadcast %div3A : f32 to vector<1x128xf32>
    %div3A_49 = arith.divf %broadcast_in_dim3A, %div3A_48 : vector<1x128xf32>
    %sub3A = vector.broadcast %div3A_49 : vector<1x128xf32> to vector<10000x128xf32>
    %sub3A_50 = arith.subf %add3A_40, %sub3A : vector<10000x128xf32>
    %mul3A_51 = arith.mulf %sub3A_50, %sub3A_50 : vector<10000x128xf32>
    %reduce_sum3A_52 = arith.constant dense<0.000000e+00> : vector<128xf32>
    %reduce_sum3A_53 = vector.multi_reduction <add>, %mul3A_51, %reduce_sum3A_52 [0] : vector<10000x128xf32> to vector<128xf32>
    %broadcast_in_dim3A_54 = vector.shape_cast %reduce_sum3A_53 : vector<128xf32> to vector<1x128xf32>
    %div3A_55 = arith.constant 1.000000e+04 : f32
    %div3A_56 = vector.broadcast %div3A_55 : f32 to vector<1x128xf32>
    %div3A_57 = arith.divf %broadcast_in_dim3A_54, %div3A_56 : vector<1x128xf32>
    %add3A_58 = arith.constant 9.99999974E-6 : f32
    %add3A_59 = vector.broadcast %add3A_58 : f32 to vector<1x128xf32>
    %add3A_60 = arith.addf %div3A_57, %add3A_59 : vector<1x128xf32>
    %sqrt3A = math.sqrt %add3A_60 : vector<1x128xf32>
    %div3A_61 = vector.broadcast %sqrt3A : vector<1x128xf32> to vector<10000x128xf32>
    %div3A_62 = arith.divf %sub3A_50, %div3A_61 : vector<10000x128xf32>
    %mul3A_63 = vector.broadcast %get3A_43 : vector<1x128xf32> to vector<10000x128xf32>
    %mul3A_64 = arith.mulf %div3A_62, %mul3A_63 : vector<10000x128xf32>
    %add3A_65 = vector.broadcast %get3A_46 : vector<1x128xf32> to vector<10000x128xf32>
    %add3A_66 = arith.addf %mul3A_64, %add3A_65 : vector<10000x128xf32>
    %max3A_67 = arith.constant 0.000000e+00 : f32
    %max3A_68 = vector.broadcast %max3A_67 : f32 to vector<10000x128xf32>
    %max3A_69 = arith.maximumf %add3A_66, %max3A_68 : vector<10000x128xf32>
    %swap3A = arith.constant 0 : index
    %swap3A_70 = arith.constant 0 : index
    %swap3A_71 = vector.load %arg9[%swap3A, %swap3A_70] : memref<10000x128xf32, #tpu.memory_space<vmem>>, vector<10000x128xf32>
    tpu.vector_store %arg9[%swap3A, %swap3A_70], %max3A_69 {strides = array<i32>} : memref<10000x128xf32, #tpu.memory_space<vmem>>, vector<10000x128xf32>,
    return
  }
}

module attributes {stable_mosaic.version = 14 : i64} {
  func.func @_last_body(%arg0: memref<10000x128xf32, #tpu.memory_space<vmem>>, %arg1: memref<2x10000x128xf32, #tpu.memory_space<vmem>>, %arg2: memref<1x1xf32, #tpu.memory_space<vmem>>, %arg3: memref<128x128xf32, #tpu.memory_space<vmem>>, %arg4: memref<1x128xf32, #tpu.memory_space<vmem>>, %arg5: memref<128x128xf32, #tpu.memory_space<vmem>>, %arg6: memref<1x128xf32, #tpu.memory_space<vmem>>, %arg7: memref<1x128xf32, #tpu.memory_space<vmem>>, %arg8: memref<1x128xf32, #tpu.memory_space<vmem>>, %arg9: memref<128x128xf32, #tpu.memory_space<vmem>>, %arg10: memref<1x128xf32, #tpu.memory_space<vmem>>, %arg11: memref<1x128xf32, #tpu.memory_space<vmem>>, %arg12: memref<1x128xf32, #tpu.memory_space<vmem>>, %arg13: memref<128x128xf32, #tpu.memory_space<vmem>>, %arg14: memref<1x128xf32, #tpu.memory_space<vmem>>, %arg15: memref<1x128xf32, #tpu.memory_space<vmem>>, %arg16: memref<1x128xf32, #tpu.memory_space<vmem>>, %arg17: memref<128x3xf32, #tpu.memory_space<vmem>>, %arg18: memref<1x3xf32, #tpu.memory_space<vmem>>, %arg19: memref<10000x3xf32, #tpu.memory_space<vmem>>) attributes {dimension_semantics = [], scalar_prefetch = 0 : i64, scratch_operands = 0 : i64, tpu.core_type = #tpu.core_type<tc>} {
    %get3A = arith.constant 0 : index
    %get3A_0 = arith.constant 0 : index
    %get3A_1 = vector.load %arg0[%get3A, %get3A_0] : memref<10000x128xf32, #tpu.memory_space<vmem>>, vector<10000x128xf32>
    %get3A_2 = arith.constant 0 : index
    %get3A_3 = arith.constant 0 : index
    %get3A_4 = vector.load %arg2[%get3A_2, %get3A_3] : memref<1x1xf32, #tpu.memory_space<vmem>>, vector<1x1xf32>
    %mul3A = vector.broadcast %get3A_4 : vector<1x1xf32> to vector<10000x128xf32>
    %mul3A_5 = arith.mulf %get3A_1, %mul3A : vector<10000x128xf32>
    %get3A_6 = arith.constant 0 : index
    %get3A_7 = arith.constant 0 : index
    %get3A_8 = arith.constant 0 : index
    %get3A_9 = vector.load %arg1[%get3A_6, %get3A_7, %get3A_8] : memref<2x10000x128xf32, #tpu.memory_space<vmem>>, vector<1x10000x128xf32>
    %get3A_10 = vector.shape_cast %get3A_9 : vector<1x10000x128xf32> to vector<10000x128xf32>
    %get3A_11 = arith.constant 1 : index
    %get3A_12 = arith.constant 0 : index
    %get3A_13 = arith.constant 0 : index
    %get3A_14 = vector.load %arg1[%get3A_11, %get3A_12, %get3A_13] : memref<2x10000x128xf32, #tpu.memory_space<vmem>>, vector<1x10000x128xf32>
    %get3A_15 = vector.shape_cast %get3A_14 : vector<1x10000x128xf32> to vector<10000x128xf32>
    %add3A = arith.addf %get3A_10, %get3A_15 : vector<10000x128xf32>
    %add3A_16 = arith.addf %mul3A_5, %add3A : vector<10000x128xf32>
    %get3A_17 = arith.constant 0 : index
    %get3A_18 = arith.constant 0 : index
    %get3A_19 = vector.load %arg3[%get3A_17, %get3A_18] : memref<128x128xf32, #tpu.memory_space<vmem>>, vector<128x128xf32>
    %convert_element_type3A = arith.truncf %add3A_16 : vector<10000x128xf32> to vector<10000x128xbf16>
    %convert_element_type3A_20 = arith.truncf %get3A_19 : vector<128x128xf32> to vector<128x128xbf16>
    %dot_general3A = arith.constant dense<0.000000e+00> : vector<10000x128xf32>
    %dot_general3A_21 = tpu.matmul %convert_element_type3A, %convert_element_type3A_20, %dot_general3A {dimension_numbers = #tpu.dot_dimension_numbers<[1], [0], [0], [1], [0, 0, 1, 1], [], []>, transpose_lhs_hint = false} : vector<10000x128xbf16>, vector<128x128xbf16>, vector<10000x128xf32> -> vector<10000x128xf32>
    %get3A_22 = arith.constant 0 : index
    %get3A_23 = arith.constant 0 : index
    %get3A_24 = vector.load %arg4[%get3A_22, %get3A_23] : memref<1x128xf32, #tpu.memory_space<vmem>>, vector<1x128xf32>
    %add3A_25 = vector.broadcast %get3A_24 : vector<1x128xf32> to vector<10000x128xf32>
    %add3A_26 = arith.addf %dot_general3A_21, %add3A_25 : vector<10000x128xf32>
    %max3A = arith.constant 0.000000e+00 : f32
    %max3A_27 = vector.broadcast %max3A : f32 to vector<10000x128xf32>
    %max3A_28 = arith.maximumf %add3A_26, %max3A_27 : vector<10000x128xf32>
    %get3A_29 = arith.constant 0 : index
    %get3A_30 = arith.constant 0 : index
    %get3A_31 = vector.load %arg5[%get3A_29, %get3A_30] : memref<128x128xf32, #tpu.memory_space<vmem>>, vector<128x128xf32>
    %convert_element_type3A_32 = arith.truncf %max3A_28 : vector<10000x128xf32> to vector<10000x128xbf16>
    %convert_element_type3A_33 = arith.truncf %get3A_31 : vector<128x128xf32> to vector<128x128xbf16>
    %dot_general3A_34 = arith.constant dense<0.000000e+00> : vector<10000x128xf32>
    %dot_general3A_35 = tpu.matmul %convert_element_type3A_32, %convert_element_type3A_33, %dot_general3A_34 {dimension_numbers = #tpu.dot_dimension_numbers<[1], [0], [0], [1], [0, 0, 1, 1], [], []>, transpose_lhs_hint = false} : vector<10000x128xbf16>, vector<128x128xbf16>, vector<10000x128xf32> -> vector<10000x128xf32>
    %get3A_36 = arith.constant 0 : index
    %get3A_37 = arith.constant 0 : index
    %get3A_38 = vector.load %arg6[%get3A_36, %get3A_37] : memref<1x128xf32, #tpu.memory_space<vmem>>, vector<1x128xf32>
    %add3A_39 = vector.broadcast %get3A_38 : vector<1x128xf32> to vector<10000x128xf32>
    %add3A_40 = arith.addf %dot_general3A_35, %add3A_39 : vector<10000x128xf32>
    %get3A_41 = arith.constant 0 : index
    %get3A_42 = arith.constant 0 : index
    %get3A_43 = vector.load %arg7[%get3A_41, %get3A_42] : memref<1x128xf32, #tpu.memory_space<vmem>>, vector<1x128xf32>
    %get3A_44 = arith.constant 0 : index
    %get3A_45 = arith.constant 0 : index
    %get3A_46 = vector.load %arg8[%get3A_44, %get3A_45] : memref<1x128xf32, #tpu.memory_space<vmem>>, vector<1x128xf32>
    %reduce_sum3A = arith.constant dense<0.000000e+00> : vector<128xf32>
    %reduce_sum3A_47 = vector.multi_reduction <add>, %add3A_40, %reduce_sum3A [0] : vector<10000x128xf32> to vector<128xf32>
    %broadcast_in_dim3A = vector.shape_cast %reduce_sum3A_47 : vector<128xf32> to vector<1x128xf32>
    %div3A = arith.constant 1.000000e+04 : f32
    %div3A_48 = vector.broadcast %div3A : f32 to vector<1x128xf32>
    %div3A_49 = arith.divf %broadcast_in_dim3A, %div3A_48 : vector<1x128xf32>
    %sub3A = vector.broadcast %div3A_49 : vector<1x128xf32> to vector<10000x128xf32>
    %sub3A_50 = arith.subf %add3A_40, %sub3A : vector<10000x128xf32>
    %mul3A_51 = arith.mulf %sub3A_50, %sub3A_50 : vector<10000x128xf32>
    %reduce_sum3A_52 = arith.constant dense<0.000000e+00> : vector<128xf32>
    %reduce_sum3A_53 = vector.multi_reduction <add>, %mul3A_51, %reduce_sum3A_52 [0] : vector<10000x128xf32> to vector<128xf32>
    %broadcast_in_dim3A_54 = vector.shape_cast %reduce_sum3A_53 : vector<128xf32> to vector<1x128xf32>
    %div3A_55 = arith.constant 1.000000e+04 : f32
    %div3A_56 = vector.broadcast %div3A_55 : f32 to vector<1x128xf32>
    %div3A_57 = arith.divf %broadcast_in_dim3A_54, %div3A_56 : vector<1x128xf32>
    %add3A_58 = arith.constant 9.99999974E-6 : f32
    %add3A_59 = vector.broadcast %add3A_58 : f32 to vector<1x128xf32>
    %add3A_60 = arith.addf %div3A_57, %add3A_59 : vector<1x128xf32>
    %sqrt3A = math.sqrt %add3A_60 : vector<1x128xf32>
    %div3A_61 = vector.broadcast %sqrt3A : vector<1x128xf32> to vector<10000x128xf32>
    %div3A_62 = arith.divf %sub3A_50, %div3A_61 : vector<10000x128xf32>
    %mul3A_63 = vector.broadcast %get3A_43 : vector<1x128xf32> to vector<10000x128xf32>
    %mul3A_64 = arith.mulf %div3A_62, %mul3A_63 : vector<10000x128xf32>
    %add3A_65 = vector.broadcast %get3A_46 : vector<1x128xf32> to vector<10000x128xf32>
    %add3A_66 = arith.addf %mul3A_64, %add3A_65 : vector<10000x128xf32>
    %max3A_67 = arith.constant 0.000000e+00 : f32
    %max3A_68 = vector.broadcast %max3A_67 : f32 to vector<10000x128xf32>
    %max3A_69 = arith.maximumf %add3A_66, %max3A_68 : vector<10000x128xf32>
    %get3A_70 = arith.constant 0 : index
    %get3A_71 = arith.constant 0 : index
    %get3A_72 = vector.load %arg9[%get3A_70, %get3A_71] : memref<128x128xf32, #tpu.memory_space<vmem>>, vector<128x128xf32>
    %convert_element_type3A_73 = arith.truncf %max3A_69 : vector<10000x128xf32> to vector<10000x128xbf16>
    %convert_element_type3A_74 = arith.truncf %get3A_72 : vector<128x128xf32> to vector<128x128xbf16>
    %dot_general3A_75 = arith.constant dense<0.000000e+00> : vector<10000x128xf32>
    %dot_general3A_76 = tpu.matmul %convert_element_type3A_73, %convert_element_type3A_74, %dot_general3A_75 {dimension_numbers = #tpu.dot_dimension_numbers<[1], [0], [0], [1], [0, 0, 1, 1], [], []>, transpose_lhs_hint = false} : vector<10000x128xbf16>, vector<128x128xbf16>, vector<10000x128xf32> -> vector<10000x128xf32>
    %get3A_77 = arith.constant 0 : index
    %get3A_78 = arith.constant 0 : index
    %get3A_79 = vector.load %arg10[%get3A_77, %get3A_78] : memref<1x128xf32, #tpu.memory_space<vmem>>, vector<1x128xf32>
    %add3A_80 = vector.broadcast %get3A_79 : vector<1x128xf32> to vector<10000x128xf32>
    %add3A_81 = arith.addf %dot_general3A_76, %add3A_80 : vector<10000x128xf32>
    %get3A_82 = arith.constant 0 : index
    %get3A_83 = arith.constant 0 : index
    %get3A_84 = vector.load %arg11[%get3A_82, %get3A_83] : memref<1x128xf32, #tpu.memory_space<vmem>>, vector<1x128xf32>
    %get3A_85 = arith.constant 0 : index
    %get3A_86 = arith.constant 0 : index
    %get3A_87 = vector.load %arg12[%get3A_85, %get3A_86] : memref<1x128xf32, #tpu.memory_space<vmem>>, vector<1x128xf32>
    %reduce_sum3A_88 = arith.constant dense<0.000000e+00> : vector<128xf32>
    %reduce_sum3A_89 = vector.multi_reduction <add>, %add3A_81, %reduce_sum3A_88 [0] : vector<10000x128xf32> to vector<128xf32>
    %broadcast_in_dim3A_90 = vector.shape_cast %reduce_sum3A_89 : vector<128xf32> to vector<1x128xf32>
    %div3A_91 = arith.constant 1.000000e+04 : f32
    %div3A_92 = vector.broadcast %div3A_91 : f32 to vector<1x128xf32>
    %div3A_93 = arith.divf %broadcast_in_dim3A_90, %div3A_92 : vector<1x128xf32>
    %sub3A_94 = vector.broadcast %div3A_93 : vector<1x128xf32> to vector<10000x128xf32>
    %sub3A_95 = arith.subf %add3A_81, %sub3A_94 : vector<10000x128xf32>
    %mul3A_96 = arith.mulf %sub3A_95, %sub3A_95 : vector<10000x128xf32>
    %reduce_sum3A_97 = arith.constant dense<0.000000e+00> : vector<128xf32>
    %reduce_sum3A_98 = vector.multi_reduction <add>, %mul3A_96, %reduce_sum3A_97 [0] : vector<10000x128xf32> to vector<128xf32>
    %broadcast_in_dim3A_99 = vector.shape_cast %reduce_sum3A_98 : vector<128xf32> to vector<1x128xf32>
    %div3A_100 = arith.constant 1.000000e+04 : f32
    %div3A_101 = vector.broadcast %div3A_100 : f32 to vector<1x128xf32>
    %div3A_102 = arith.divf %broadcast_in_dim3A_99, %div3A_101 : vector<1x128xf32>
    %add3A_103 = arith.constant 9.99999974E-6 : f32
    %add3A_104 = vector.broadcast %add3A_103 : f32 to vector<1x128xf32>
    %add3A_105 = arith.addf %div3A_102, %add3A_104 : vector<1x128xf32>
    %sqrt3A_106 = math.sqrt %add3A_105 : vector<1x128xf32>
    %div3A_107 = vector.broadcast %sqrt3A_106 : vector<1x128xf32> to vector<10000x128xf32>
    %div3A_108 = arith.divf %sub3A_95, %div3A_107 : vector<10000x128xf32>
    %mul3A_109 = vector.broadcast %get3A_84 : vector<1x128xf32> to vector<10000x128xf32>
    %mul3A_110 = arith.mulf %div3A_108, %mul3A_109 : vector<10000x128xf32>
    %add3A_111 = vector.broadcast %get3A_87 : vector<1x128xf32> to vector<10000x128xf32>
    %add3A_112 = arith.addf %mul3A_110, %add3A_111 : vector<10000x128xf32>
    %max3A_113 = arith.constant 0.000000e+00 : f32
    %max3A_114 = vector.broadcast %max3A_113 : f32 to vector<10000x128xf32>
    %max3A_115 = arith.maximumf %add3A_112, %max3A_114 : vector<10000x128xf32>
    %get3A_116 = arith.constant 0 : index
    %get3A_117 = arith.constant 0 : index
    %get3A_118 = vector.load %arg13[%get3A_116, %get3A_117] : memref<128x128xf32, #tpu.memory_space<vmem>>, vector<128x128xf32>
    %convert_element_type3A_119 = arith.truncf %max3A_115 : vector<10000x128xf32> to vector<10000x128xbf16>
    %convert_element_type3A_120 = arith.truncf %get3A_118 : vector<128x128xf32> to vector<128x128xbf16>
    %dot_general3A_121 = arith.constant dense<0.000000e+00> : vector<10000x128xf32>
    %dot_general3A_122 = tpu.matmul %convert_element_type3A_119, %convert_element_type3A_120, %dot_general3A_121 {dimension_numbers = #tpu.dot_dimension_numbers<[1], [0], [0], [1], [0, 0, 1, 1], [], []>, transpose_lhs_hint = false} : vector<10000x128xbf16>, vector<128x128xbf16>, vector<10000x128xf32> -> vector<10000x128xf32>
    %get3A_123 = arith.constant 0 : index
    %get3A_124 = arith.constant 0 : index
    %get3A_125 = vector.load %arg14[%get3A_123, %get3A_124] : memref<1x128xf32, #tpu.memory_space<vmem>>, vector<1x128xf32>
    %add3A_126 = vector.broadcast %get3A_125 : vector<1x128xf32> to vector<10000x128xf32>
    %add3A_127 = arith.addf %dot_general3A_122, %add3A_126 : vector<10000x128xf32>
    %get3A_128 = arith.constant 0 : index
    %get3A_129 = arith.constant 0 : index
    %get3A_130 = vector.load %arg15[%get3A_128, %get3A_129] : memref<1x128xf32, #tpu.memory_space<vmem>>, vector<1x128xf32>
    %get3A_131 = arith.constant 0 : index
    %get3A_132 = arith.constant 0 : index
    %get3A_133 = vector.load %arg16[%get3A_131, %get3A_132] : memref<1x128xf32, #tpu.memory_space<vmem>>, vector<1x128xf32>
    %reduce_sum3A_134 = arith.constant dense<0.000000e+00> : vector<128xf32>
    %reduce_sum3A_135 = vector.multi_reduction <add>, %add3A_127, %reduce_sum3A_134 [0] : vector<10000x128xf32> to vector<128xf32>
    %broadcast_in_dim3A_136 = vector.shape_cast %reduce_sum3A_135 : vector<128xf32> to vector<1x128xf32>
    %div3A_137 = arith.constant 1.000000e+04 : f32
    %div3A_138 = vector.broadcast %div3A_137 : f32 to vector<1x128xf32>
    %div3A_139 = arith.divf %broadcast_in_dim3A_136, %div3A_138 : vector<1x128xf32>
    %sub3A_140 = vector.broadcast %div3A_139 : vector<1x128xf32> to vector<10000x128xf32>
    %sub3A_141 = arith.subf %add3A_127, %sub3A_140 : vector<10000x128xf32>
    %mul3A_142 = arith.mulf %sub3A_141, %sub3A_141 : vector<10000x128xf32>
    %reduce_sum3A_143 = arith.constant dense<0.000000e+00> : vector<128xf32>
    %reduce_sum3A_144 = vector.multi_reduction <add>, %mul3A_142, %reduce_sum3A_143 [0] : vector<10000x128xf32> to vector<128xf32>
    %broadcast_in_dim3A_145 = vector.shape_cast %reduce_sum3A_144 : vector<128xf32> to vector<1x128xf32>
    %div3A_146 = arith.constant 1.000000e+04 : f32
    %div3A_147 = vector.broadcast %div3A_146 : f32 to vector<1x128xf32>
    %div3A_148 = arith.divf %broadcast_in_dim3A_145, %div3A_147 : vector<1x128xf32>
    %add3A_149 = arith.constant 9.99999974E-6 : f32
    %add3A_150 = vector.broadcast %add3A_149 : f32 to vector<1x128xf32>
    %add3A_151 = arith.addf %div3A_148, %add3A_150 : vector<1x128xf32>
    %sqrt3A_152 = math.sqrt %add3A_151 : vector<1x128xf32>
    %div3A_153 = vector.broadcast %sqrt3A_152 : vector<1x128xf32> to vector<10000x128xf32>
    %div3A_154 = arith.divf %sub3A_141, %div3A_153 : vector<10000x128xf32>
    %mul3A_155 = vector.broadcast %get3A_130 : vector<1x128xf32> to vector<10000x128xf32>
    %mul3A_156 = arith.mulf %div3A_154, %mul3A_155 : vector<10000x128xf32>
    %add3A_157 = vector.broadcast %get3A_133 : vector<1x128xf32> to vector<10000x128xf32>
    %add3A_158 = arith.addf %mul3A_156, %add3A_157 : vector<10000x128xf32>
    %max3A_159 = arith.constant 0.000000e+00 : f32
    %max3A_160 = vector.broadcast %max3A_159 : f32 to vector<10000x128xf32>
    %max3A_161 = arith.maximumf %add3A_158, %max3A_160 : vector<10000x128xf32>
    %get3A_162 = arith.constant 0 : index
    %get3A_163 = arith.constant 0 : index
    %get3A_164 = vector.load %arg17[%get3A_162, %get3A_163] : memref<128x3xf32, #tpu.memory_space<vmem>>, vector<128x3xf32>
    %convert_element_type3A_165 = arith.truncf %max3A_161 : vector<10000x128xf32> to vector<10000x128xbf16>
    %convert_element_type3A_166 = arith.truncf %get3A_164 : vector<128x3xf32> to vector<128x3xbf16>
    %dot_general3A_167 = arith.constant dense<0.000000e+00> : vector<10000x3xf32>
    %dot_general3A_168 = tpu.matmul %convert_element_type3A_165, %convert_element_type3A_166, %dot_general3A_167 {dimension_numbers = #tpu.dot_dimension_numbers<[1], [0], [0], [1], [0, 0, 1, 1], [], []>, transpose_lhs_hint = false} : vector<10000x128xbf16>, vector<128x3xbf16>, vector<10000x3xf32> -> vector<10000x3xf32>
    %get3A_169 = arith.constant 0 : index
    %get3A_170 = arith.constant 0 : index
    %get3A_171 = vector.load %arg18[%get3A_169, %get3A_170] : memref<1x3xf32, #tpu.memory_space<vmem>>, vector<1x3xf32>
    %add3A_172 = vector.broadcast %get3A_171 : vector<1x3xf32> to vector<10000x3xf32>
    %add3A_173 = arith.addf %dot_general3A_168, %add3A_172 : vector<10000x3xf32>
    %swap3A = arith.constant 0 : index
    %swap3A_174 = arith.constant 0 : index
    %swap3A_175 = vector.load %arg19[%swap3A, %swap3A_174] : memref<10000x3xf32, #tpu.memory_space<vmem>>, vector<10000x3xf32>
    tpu.vector_store %arg19[%swap3A, %swap3A_174], %add3A_173 {strides = array<i32>} : memref<10000x3xf32, #tpu.memory_space<vmem>>, vector<10000x3xf32>,
    return
  }
}

</mosaic_0001>

<sc_bundles>
// kernel: kernel.11.cloned.1.call-start
scs
__scs_entry_jumppad:
0x0: {  	(pc) =	sbr.rel $0x88, $3  }
0x1: {  	(tag) =	ssettag $0x0;
	lr =	simm.s32 $0x1  }
0x2: {  	[smem:$0x3F80] =	sst lr;
	_ =	strace $0xD0000000  }
0x3: {  	_ = 	snop  }
0x4: {  	_ = 	snop  }
0x5: {  	_ = 	snop  }
0x6: {  	_ = 	snop  }
0x7: {  	_ = 	snop  }
__scs_overlays_trampoline_lowered:
0x8: {  	[smem:$0x3F8F] =	sst s0  }
0x9: {  	[smem:$0x3F90] =	sst s1  }
0xa: {  	[smem:$0x3F91] =	sst s2  }
0xb: {  	[smem:$0x3F92] =	sst s3  }
0xc: {  	[smem:$0x3F93] =	sst s4  }
0xd: {  	[smem:$0x3F94] =	sst s5  }
0xe: {  	[smem:$0x3F95] =	sst s6  }
0xf: {  	[smem:$0x3F96] =	sst s7  }
0x10: {  	[smem:$0x3F97] =	sst s8  }
0x11: {  	[smem:$0x3F98] =	sst s9;
	s0 =	simm.s32 @!p0 $0x0  }
0x12: {  	s1 =	sld [smem:$0x3F7E];
	s0 =	simm.s32 @p0 $0x1  }
0x13: {  	[smem:$0x3F99] =	sst s0;
	s0 =	simm.s32 @!p1 $0x0  }
0x14: {  	s2 =	sld [smem:$0x3F7D];
	s0 =	simm.s32 @p1 $0x1  }
0x15: {  	[smem:$0x3F9A] =	sst s0;
	s0 =	simm.s32 @!p2 $0x0  }
0x16: {  	s3 =	sld [smem:$0x3FDB];
	s0 =	simm.s32 @p2 $0x1  }
0x17: {  	s4 =	simm.s32 $0x1BF5;
	[smem:$0x3F9C] =	sst s0  }
0x18: {  	s0 =	sld [smem:$0x3F7F];
	_ =	swait.ge [sflag:s4], $0x0  }
0x19: {  	s7 =	sld [smem:$0x3F80]  }
0x1a: {  	s8 =	sadd.s32 $0xFFFFE003, lr  }
0x1b: {  	s9 =	sadd.s32 $0xFFFFFEF7, lr;
	s5 =	simm.s32 $0xFFFFFFFF;
	p2 =	slt.u32 s8, $0xFFFFF086  }
0x1c: {  	p1 =	slt.u32 s9, $0xF7A;
	s5 =	simm.s32 @!p2 $0x0  }
0x1d: {  	s5 =	simm.s32 @p1 $0x1;
	p0 =	seq.s32 s7, s2  }
0x1e: {  	s7 =	smul.u32 @!p0 $0xF7A, s2;
	p2 =	seq.s32 @!p0 s5, $0x0  }
0x1f: {  	s9 =	smul.u32 $0xF7A, s1;
	s8 =	simm.s32 @!p0 $0x1BF5;
	p2 =	por !p2, p0  }
0x20: {  	[sflag:s8] =	ssyncset.s32 @!p0 $0xFFFFF086;
	s6 =	sadd.s32 @!p0 s3, s7;
	s7 =	simm.s32 @!p0 $0x108  }
0x21: {  	s3 =	sadd.s32 s3, s9;
	s6 =	sadd.s32 @!p0 $0x88, s6;
	s7 =	simm.s32 @p2 $0x1082  }
0x22: {  	[simem:s7], [sflag:s8] =	dma.local @!p0 [hbm:s6], $0xF7A  }
0x23: {  	s9 =	sor.u32 $0xD0000000, s2;
	s6 =	simm.s32 $0x108;
	_ =	swait.ge @!p0 [sflag:s8], $0x0  }
0x24: {  	s3 =	sadd.s32 $0x88, s3;
	s6 =	simm.s32 @!p1 $0x1082;
	[sflag:s4] =	ssyncset.s32 $0xFFFFF086  }
0x25: {  	[simem:s6], [sflag:s4] =	dma.local [hbm:s3], $0xF7A  }
0x26: {  	[smem:$0x3F80] =	sst s1;
	(tag) =	ssettag s2;
	_ =	strace s9  }
0x27: {  	s1 =	sld [smem:$0x3F90]  }
0x28: {  	s2 =	sld [smem:$0x3F91]  }
0x29: {  	s4 =	sld [smem:$0x3F93]  }
0x2a: {  	p0 =	seq.s32 s5, $0x0;
	s5 =	sld [smem:$0x3F94]  }
0x2b: {  	s6 =	sld [smem:$0x3F95]  }
0x2c: {  	s7 =	sld [smem:$0x3F96]  }
0x2d: {  	s3 =	simm.s32 $0x108;
	s8 =	sld [smem:$0x3F97]  }
0x2e: {  	s3 =	simm.s32 @!p0 $0x1082;
	s9 =	sld [smem:$0x3F98]  }
0x2f: {  	lr =	sadd.s32 s0, s3;
	s0 =	sld [smem:$0x3F8F]  }
0x30: {  	s3 =	sld [smem:$0x3F92]  }
0x31: {  	[smem:$0x3F9B] =	sst s10  }
0x32: {  	s10 =	sld [smem:$0x3F99];
	_ =	sdelay $0x3  }
0x33: {  	p0 =	seq.s32 s10, $0x1;
	s10 =	sld [smem:$0x3F9B];
	_ =	sdelay $0x3  }
0x34: {  	[smem:$0x3F9B] =	sst s10  }
0x35: {  	s10 =	sld [smem:$0x3F9A];
	_ =	sdelay $0x3  }
0x36: {  	p1 =	seq.s32 s10, $0x1;
	s10 =	sld [smem:$0x3F9B];
	_ =	sdelay $0x3  }
0x37: {  	[smem:$0x3F9B] =	sst s10  }
0x38: {  	s10 =	sld [smem:$0x3F9C]  }
0x39: {  	_ = 	snop;
	(pc) =	sbr.ind lr, $3  }
0x3a: {  	_ = 	snop  }
0x3b: {  	_ = 	snop  }
0x3c: {  	p2 =	seq.s32 s10, $0x1;
	s10 =	sld [smem:$0x3F9B]  }
0x3d: {  	_ =	shalt  }
0x3e: {  	_ =	shalt  }
0x3f: {  	_ =	shalt  }
0x40: {  	_ =	shalt  }
0x41: {  	_ =	shalt  }
0x42: {  	_ =	shalt  }
0x43: {  	_ =	shalt  }
0x44: {  	_ =	shalt  }
0x45: {  	_ =	shalt  }
0x46: {  	_ =	shalt  }
0x47: {  	_ =	shalt  }
0x48: {  	_ =	shalt  }
0x49: {  	_ =	shalt  }
0x4a: {  	_ =	shalt  }
0x4b: {  	_ =	shalt  }
0x4c: {  	_ =	shalt  }
0x4d: {  	_ =	shalt  }
0x4e: {  	_ =	shalt  }
0x4f: {  	_ =	shalt  }
0x50: {  	_ =	shalt  }
0x51: {  	_ =	shalt  }
0x52: {  	_ =	shalt  }
0x53: {  	_ =	shalt  }
0x54: {  	_ =	shalt  }
0x55: {  	_ =	shalt  }
0x56: {  	_ =	shalt  }
0x57: {  	_ =	shalt  }
0x58: {  	_ =	shalt  }
0x59: {  	_ =	shalt  }
0x5a: {  	_ =	shalt  }
0x5b: {  	_ =	shalt  }
0x5c: {  	_ =	shalt  }
0x5d: {  	_ =	shalt  }
0x5e: {  	_ =	shalt  }
0x5f: {  	_ =	shalt  }
0x60: {  	_ =	shalt  }
0x61: {  	_ =	shalt  }
0x62: {  	_ =	shalt  }
0x63: {  	_ =	shalt  }
0x64: {  	_ =	shalt  }
0x65: {  	_ =	shalt  }
0x66: {  	_ =	shalt  }
0x67: {  	_ =	shalt  }
0x68: {  	_ =	shalt  }
0x69: {  	_ =	shalt  }
0x6a: {  	_ =	shalt  }
0x6b: {  	_ =	shalt  }
0x6c: {  	_ =	shalt  }
0x6d: {  	_ =	shalt  }
0x6e: {  	_ =	shalt  }
0x6f: {  	_ =	shalt  }
0x70: {  	_ =	shalt  }
0x71: {  	_ =	shalt  }
0x72: {  	_ =	shalt  }
0x73: {  	_ =	shalt  }
0x74: {  	_ =	shalt  }
0x75: {  	_ =	shalt  }
0x76: {  	_ =	shalt  }
0x77: {  	_ =	shalt  }
0x78: {  	_ =	shalt  }
0x79: {  	_ =	shalt  }
0x7a: {  	_ =	shalt  }
0x7b: {  	_ =	shalt  }
0x7c: {  	_ =	shalt  }
0x7d: {  	_ =	shalt  }
0x7e: {  	_ =	shalt  }
0x7f: {  	_ =	shalt  }
0x80: {  	_ =	shalt  }
0x81: {  	_ =	shalt  }
0x82: {  	_ =	shalt  }
0x83: {  	_ =	shalt  }
0x84: {  	_ =	shalt  }
0x85: {  	_ =	shalt  }
0x86: {  	_ =	shalt  }
0x87: {  	_ =	shalt  }
.Lfunc_end0:
.L_simem_size_0:
called_computation.1_lowered:
.L_overlay_start_0:
0x88: {  	s2 =	sld [smem:$0x3FD9]  }
0x89: {  	s3 =	sld [smem:$0x3FFE];
	_ =	sdelay $0x1  }
0x8a: {  	s1 =	srdreg.scid  }
0x8b: {  	s0 =	sand.u32 $0x1, s1  }
0x8c: {  	s16 =	sshll.u32 s0, $0xA;
	s2 =	sadd.s32 s3, s2  }
0x8d: {  	s2 =	sadd.s32 s2, s16  }
0x8e: {  	[smem:$0x3FA7] =	sst s2  }
0x8f: {  	_ = 	snop  }
0x90: {  	(tm) =	ssettm $0x1  }
0x91: {  	s17 =	sld [smem:$0x3FFB];
	_ =	sdelay $0x3  }
0x92: {  	_ =	strace s17  }
0x93: {  	s2 =	sld [smem:$0x3FFC];
	_ =	sdelay $0x3  }
0x94: {  	_ =	strace s2  }
0x95: {  	s2 =	sld [smem:$0x3FFD];
	_ =	sdelay $0x3  }
0x96: {  	_ =	strace s2  }
0x97: {  	_ =	strace $0x8FFFFFFF  }
0x98: {  	s18 =	sld [smem:$0x3FDB];
	_ =	sdelay $0x1  }
0x99: {  	s19 =	simm.s32 $_scs_section_size  }
0x9a: {  	s4 =	simm.s32 $_size__tile_overlayer_lowered;
	s5 =	simm.s32 $_tile_overlayer_lowered  }
0x9b: {  	s22 =	simm.s32 $0x1BFF;
	s21 =	sshll.u32 s5, $0x1;
	s2 =	sadd.s32 s19, s18  }
0x9c: {  	s6 =	simm.s32 $0x0;
	s20 =	sshll.u32 s4, $0x1;
	s4 =	sadd.s32 s21, s2  }
0x9d: {  	[timem:s6], [sflag:s22] =	dma.local [hbm:s4], s20  }
0x9e: {  	_ =	swait.ge [sflag:s22], s20  }
0x9f: {  	s3 =	ssub.s32 $0x0, s20;
	[sflag:s22] =	ssyncset.done $0x0  }
0xa0: {  	[sflag:s22] =	ssyncadd.s32 s3;
	_ =	sdelay $0x1  }
0xa1: {  	s23 =	simm.s32 $0x1B8B  }
0xa2: {  	_ =	swait.ge [sflag:s23], $0x1  }
0xa3: {  	[sflag:s23] =	ssyncset.done $0x0  }
0xa4: {  	s25 =	simm.s32 $0x1B8E;
	s24 =	sld [smem:$0x3FFE];
	[sflag:s23] =	ssyncadd.s32 $0xFFFFFFFF  }
0xa5: {  	s26 =	simm.s32 $execute0_lowered;
	[smem:$0x3FD2] =	sst s25  }
0xa6: {  	s4 =	sshll.u32 s26, $0x1;
	_ =	strace $0x80000049;
	[dreg:$0x1] =	wrdreg $0xFFFFFFFF  }
0xa7: {  	s28 =	simm.s32 $_size_execute0_lowered;
	s2 =	sadd.s32 s2, s4;
	[dreg:$0x0] =	wrdreg $0x0  }
0xa8: {  	s4 =	sshll.u32 s28, $0x1;
	[dreg:$0x2] =	wrdreg s2  }
0xa9: {  	[dreg:$0x3] =	wrdreg s4  }
0xaa: {  	[dreg:$0x4] =	wrdreg $0xC0  }
0xab: {  	_ =	task [dreg:s6], $0x5FFFF  }
0xac: {  	[dreg:$0x1] =	wrdreg $0xFFFFFFFF  }
0xad: {  	[dreg:$0x0] =	wrdreg $0x60  }
0xae: {  	[dreg:$0x2] =	wrdreg s24  }
0xaf: {  	[dreg:$0x3] =	wrdreg $0x60000  }
0xb0: {  	[dreg:$0x4] =	wrdreg $0x9  }
0xb1: {  	_ =	task.clear_ibuf [dreg:s6], $0x5FFFF;
	_ =	strace $0x90000049  }
0xb2: {  	s29 =	simm.s32 $0x9;
	_ =	strace $0x8000004B  }
0xb3: {  	_ =	swait.ge [sflag:s29], $0x1  }
0xb4: {  	[sflag:s29] =	ssyncadd.s32 $0xFFFFFFFF  }
0xb5: {  	_ =	strace $0x9000004B  }
0xb6: {  	_ =	sfence  }
0xb7: {  	s30 =	sld [smem:$0x0];
	_ =	sdelay $0x2  }
0xb8: {  	s31 =	sshll.u32 s1, $0xD;
	s1 =	sshrl.u32 s1, $0x2  }
0xb9: {  	s3 =	sand.u32 $0x4000, s31;
	s1 =	sadd.s32 s1, s30  }
0xba: {  	s0 =	sor.u32 s3, s0;
	s1 =	sshll.u32 s1, $0x11  }
0xbb: {  	s0 =	sor.u32 s1, s0  }
0xbc: {  	s0 =	sadd.s32 $0x8F2B, s0  }
0xbd: {  	[sflag:s0] =	ssyncadd.remote.s32 $0x1  }
0xbe: {  	_ =	sfence.sel $0xFFFF  }
0xbf: {  	[dreg:$0x0] =	wrdreg $0xFFFFFFFF;
	(pc) =	sbr.abs _section_cstart, $3  }
0xc0: {  	[dreg:$0x1] =	wrdreg $0xFFFFFFFF  }
0xc1: {  	_ =	task.clear_ibuf [dreg:s6], $0x2FFFF;
	_ =	strace $0x9FFFFFFF  }
0xc2: {  	(tm) =	ssettm $0x7FFFFFFF  }
0xc3: {  	_ =	shalt  }
tec
execute0_lowered:
.L_overlay_start_1:
0x0: {  	(tag) =	ssettag $0x1  }
0x1: {  	s8 =	rddreg [dreg:$0x0]  }
0x2: {  	s0 =	srdreg.scid;
	s2 =	rddreg [dreg:$0x1];
	s3 =	simm.s32 $0x0  }
0x3: {  	s16 =	simm.s32 $0x1C00;
	s17 =	simm.s32 $0x28;
	s18 =	simm.s32 $0x3800  }
0x4: {  	s19 =	simm.s32 $0x4C00;
	s20 =	simm.s32 $0x1;
	s21 =	simm.s32 $0x2  }
0x5: {  	s22 =	simm.s32 $0x1880;
	s6 =	sand.u32 $0x1, s0;
	s0 =	stileid.u32  }
0x6: {  	s23 =	simm.s32 $0x3400;
	s24 =	simm.s32 $0x3480;
	s4 =	smul.u32 $0x2700, s0  }
0x7: {  	[smem:$0x7FF] =	sst s3;
	s5 =	sadd.s32 $0x71000, s8;
	s9 =	smul.u32 $0x27100, s6  }
0x8: {  	s15 =	sadd.s32 $0x138000, s2;
	s1 =	sshll.u32 s6, $0x4;
	s10 =	smul.u32 $0x4E000, s0  }
0x9: {  	s6 =	ssub.s32 $0x2, s6;
	s31 =	sshll.u32 s0, $0x6;
	p0 =	sne.s32 s0, $0xF  }
0xa: {  	s1 =	sor.u32 s0, s1;
	s30 =	sshrl.u32 s6, $0x1;
	s15 =	sshrl.u32 @!p0 s15, $0x3  }
0xb: {  	s7 =	smul.u32 $0x1180, s1;
	s1 =	rddreg [dreg:$0x2];
	_ =	strace $0x8000004A  }
0xc: {  	s29 =	sadd.s32 s4, s8;
	s12 =	sadd.s32 s9, s8;
	s10 =	sshrl.u32 s10, $0x2  }
0xd: {  	s13 =	ssub.s32 s6, s30;
	s14 =	sadd.s32 s10, s2;
	s6 =	sadd.s32 $0x49E00, s29  }
0xe: {  	s11 =	sadd.s32 s7, s8;
	s7 =	sor.u32 $0x1C03, s31;
	s8 =	sadd.s32 $0x70E00, s8  }
0xf: {  	s9 =	sadd.s32 $0x3E00, s11;
	s10 =	sadd.s32 $0x26E00, s11;
	s11 =	sadd.s32 $0x98200, s12  }
0x10: {  	s12 =	smax.u32 s13, $0x1;
	s13 =	sshrl.u32 s14, $0x3;
	s14 =	simm.s32 $0x3  }
.LBB2_1:
0x11: {  	[spmem:s13], [sflag:s7] =	dma.local [hbm:s6], $0x2700  }
0x12: {  	_ =	swait.ge [sflag:s14], $0x2700  }
0x13: {  	[sflag:s14] =	ssyncset.done $0x0  }
0x14: {  	s25 =	simm.s32 @!p0 $0x3;
	[sflag:s14] =	ssyncadd.s32 $0xFFFFD900  }
0x15: {  	[spmem:s15], [sflag:s7] =	dma.local @!p0 [hbm:s8], $0x100  }
0x16: {  	_ =	swait.ge @!p0 [sflag:s25], $0x100  }
0x17: {  	[sflag:s25] =	ssyncset.done @!p0 $0x0  }
0x18: {  	[sflag:s25] =	ssyncadd.s32 @!p0 $0xFFFFFF00  }
0x19: {  	s25 =	simm.s32 $0x0;
	[bflag:$0x0] =	sbarrier.arrive $0xFFFF  }
.LBB2_2:
0x1a: {  	s26 =	smul.u32 $0x380, s25;
	_ =	sdelay $0x1  }
0x1b: {  	s29 =	simm.s32 $0x0;
	s28 =	sadd.s32 s26, s9  }
0x1c: {  	[tilespmem:s29], [sflag:$0x3] =	stream.linear.gather [hbm4b:s28+s29], $0x1900, $0x38;
	[tilespmem:$0x19880] =	vst v63  }
0x1d: {  	_ =	swait.ge [sflag:s14], $0x1900  }
0x1e: {  	[sflag:s14] =	ssyncset.done $0x0  }
0x1f: {  	s26 =	sadd.s32 s26, s10;
	[sflag:s14] =	ssyncadd.s32 $0xFFFFE700  }
0x20: {  	[tilespmem:s16], [sflag:$0x3] =	stream.linear.gather [hbm4b:s26+s29], $0x1900, $0x38;
	[tilespmem:$0x19880] =	vst v63  }
0x21: {  	_ =	swait.ge [sflag:s14], $0x1900  }
0x22: {  	[sflag:s14] =	ssyncset.done $0x0  }
0x23: {  	[sflag:s14] =	ssyncadd.s32 $0xFFFFE700  }
0x24: {  	[tilespmem:s18], [sflag:$0x1] =	stream.indirect.gather [hbm4b:s5+s17], $0x80, s29, s17, $0xb8;
	[tilespmem:$0x19880] =	vst v63  }
0x25: {  	s31 =	simm.s32 $0x80  }
0x26: {  	[tilespmem:s19], [sflag:$0x2] =	stream.indirect.gather [hbm4b:s5+s17], $0x80, s31, s17, $0xb8;
	[tilespmem:$0x19880] =	vst v63  }
0x27: {  	_ =	swait.ge [sflag:s20], $0x1400  }
0x28: {  	[sflag:s20] =	ssyncset.done $0x0  }
0x29: {  	s29 =	simm.s32 $0x1C00;
	[sflag:s20] =	ssyncadd.s32 $0xFFFFEC00  }
0x2a: {  	[spmem:s2] =	stream.indirect.scatter.add.f32 [tilespmem:s18], [sflag:$0x3], $0x80, s29, s17, $0xb8;
	[tilespmem:$0x19880] =	vst v63  }
0x2b: {  	_ =	swait.ge [sflag:s14], $0x1400  }
0x2c: {  	[sflag:s14] =	ssyncset.done $0x0  }
0x2d: {  	s30 =	simm.s32 $0x100;
	[sflag:s14] =	ssyncadd.s32 $0xFFFFEC00  }
0x2e: {  	[tilespmem:s18], [sflag:$0x1] =	stream.indirect.gather [hbm4b:s5+s17], $0x80, s30, s17, $0xb8;
	[tilespmem:$0x19880] =	vst v63  }
0x2f: {  	_ =	swait.ge [sflag:s21], $0x1400  }
0x30: {  	[sflag:s21] =	ssyncset.done $0x0  }
0x31: {  	s31 =	simm.s32 $0x1C80;
	[sflag:s21] =	ssyncadd.s32 $0xFFFFEC00  }
0x32: {  	[spmem:s2] =	stream.indirect.scatter.add.f32 [tilespmem:s19], [sflag:$0x3], $0x80, s31, s17, $0xb8;
	[tilespmem:$0x19880] =	vst v63  }
0x33: {  	_ =	swait.ge [sflag:s14], $0x1400  }
0x34: {  	s28 =	simm.s32 $0x800;
	s26 =	simm.s32 $0x100;
	[sflag:s14] =	ssyncset.done $0x0  }
.LBB2_3:
0x35: {  	s29 =	sadd.s32 $0x80, s26  }
0x36: {  	[sflag:s14] =	ssyncadd.s32 $0xFFFFEC00;
	s30 =	smov.u32 s28;
	s31 =	sadd.s32 $0x400, s28  }
0x37: {  	[tilespmem:s19], [sflag:$0x2] =	stream.indirect.gather [hbm4b:s5+s17], $0x80, s29, s17, $0xb8;
	[tilespmem:$0x19880] =	vst v63  }
0x38: {  	p1 =	sne.s32 s28, $0x5C00;
	_ =	swait.ge [sflag:s20], $0x1400  }
0x39: {  	[sflag:s20] =	ssyncset.done $0x0  }
0x3a: {  	s28 =	sadd.s32 $0x1C00, s26;
	[sflag:s20] =	ssyncadd.s32 $0xFFFFEC00  }
0x3b: {  	[spmem:s2] =	stream.indirect.scatter.add.f32 [tilespmem:s18], [sflag:$0x3], $0x80, s28, s17, $0xb8;
	[tilespmem:$0x19880] =	vst v63  }
0x3c: {  	_ =	swait.ge [sflag:s14], $0x1400  }
0x3d: {  	[sflag:s14] =	ssyncset.done $0x0  }
0x3e: {  	s28 =	sadd.s32 $0x100, s26;
	[sflag:s14] =	ssyncadd.s32 $0xFFFFEC00  }
0x3f: {  	[tilespmem:s18], [sflag:$0x1] =	stream.indirect.gather [hbm4b:s5+s17], $0x80, s28, s17, $0xb8;
	[tilespmem:$0x19880] =	vst v63  }
0x40: {  	_ =	swait.ge [sflag:s21], $0x1400  }
.Ltmp0:
0x41: {  	[sflag:s21] =	ssyncset.done $0x0;
	(pc) =	sbr.rel @p1 .LBB2_3-.Ltmp0, $4  }
0x42: {  	s26 =	sadd.s32 $0x1C80, s26;
	[sflag:s21] =	ssyncadd.s32 $0xFFFFEC00  }
0x43: {  	[spmem:s2] =	stream.indirect.scatter.add.f32 [tilespmem:s19], [sflag:$0x3], $0x80, s26, s17, $0xb8;
	[tilespmem:$0x19880] =	vst v63  }
0x44: {  	_ =	swait.ge [sflag:s14], $0x1400  }
0x45: {  	s28 =	smov.u32 s31;
	s26 =	sshra.s32 s30, $0x2;
	[sflag:s14] =	ssyncset.done $0x0  }
0x46: {  	s28 =	sadd.s32 $0x80, s26;
	[sflag:s14] =	ssyncadd.s32 $0xFFFFEC00  }
0x47: {  	[tilespmem:s19], [sflag:$0x2] =	stream.indirect.gather [hbm4b:s5+s17], $0x80, s28, s17, $0xb8;
	[tilespmem:$0x19880] =	vst v63  }
0x48: {  	_ =	swait.ge [sflag:s20], $0x1400  }
0x49: {  	[sflag:s20] =	ssyncset.done $0x0  }
0x4a: {  	s29 =	sadd.s32 $0x1C00, s26;
	[sflag:s20] =	ssyncadd.s32 $0xFFFFEC00  }
0x4b: {  	[spmem:s2] =	stream.indirect.scatter.add.f32 [tilespmem:s18], [sflag:$0x3], $0x80, s29, s17, $0xb8;
	[tilespmem:$0x19880] =	vst v63  }
0x4c: {  	_ =	swait.ge [sflag:s14], $0x1400  }
0x4d: {  	[sflag:s14] =	ssyncset.done $0x0  }
0x4e: {  	s30 =	sadd.s32 $0x100, s26;
	[sflag:s14] =	ssyncadd.s32 $0xFFFFEC00  }
0x4f: {  	[tilespmem:s18], [sflag:$0x1] =	stream.indirect.gather [hbm4b:s5+s17], $0x80, s30, s17, $0xb8;
	[tilespmem:$0x19880] =	vst v63  }
0x50: {  	_ =	swait.ge [sflag:s21], $0x1400  }
0x51: {  	[sflag:s21] =	ssyncset.done $0x0  }
0x52: {  	s31 =	sadd.s32 $0x1C80, s26;
	[sflag:s21] =	ssyncadd.s32 $0xFFFFEC00  }
0x53: {  	[spmem:s2] =	stream.indirect.scatter.add.f32 [tilespmem:s19], [sflag:$0x3], $0x80, s31, s17, $0xb8;
	[tilespmem:$0x19880] =	vst v63  }
0x54: {  	_ =	swait.ge [sflag:s14], $0x1400  }
0x55: {  	[sflag:s14] =	ssyncset.done $0x0  }
0x56: {  	[sflag:s14] =	ssyncadd.s32 $0xFFFFEC00  }
0x57: {  	[tilespmem:s19], [sflag:$0x2] =	stream.indirect.gather [hbm4b:s5+s17], $0x80, s22, s17, $0xb8;
	[tilespmem:$0x19880] =	vst v63  }
0x58: {  	_ =	swait.ge [sflag:s20], $0x1400  }
0x59: {  	[sflag:s20] =	ssyncset.done $0x0  }
0x5a: {  	[sflag:s20] =	ssyncadd.s32 $0xFFFFEC00  }
0x5b: {  	[spmem:s2] =	stream.indirect.scatter.add.f32 [tilespmem:s18], [sflag:$0x3], $0x80, s23, s17, $0xb8;
	[tilespmem:$0x19880] =	vst v63  }
0x5c: {  	_ =	swait.ge [sflag:s14], $0x1400  }
0x5d: {  	[sflag:s14] =	ssyncset.done $0x0  }
0x5e: {  	[sflag:s14] =	ssyncadd.s32 $0xFFFFEC00  }
0x5f: {  	s25 =	sadd.s32 $0x1, s25;
	_ =	swait.ge [sflag:s21], $0x1400  }
0x60: {  	p1 =	sne.s32 s25, $0x5;
	[sflag:s21] =	ssyncset.done $0x0  }
.Ltmp1:
0x61: {  	[sflag:s21] =	ssyncadd.s32 $0xFFFFEC00;
	(pc) =	sbr.rel @p1 .LBB2_2-.Ltmp1, $4  }
0x62: {  	[spmem:s2] =	stream.indirect.scatter.add.f32 [tilespmem:s19], [sflag:$0x3], $0x80, s24, s17, $0xb8;
	[tilespmem:$0x19880] =	vst v63  }
0x63: {  	_ =	swait.ge [sflag:s14], $0x1400  }
0x64: {  	[sflag:s14] =	ssyncset.done $0x0  }
0x65: {  	[sflag:s14] =	ssyncadd.s32 $0xFFFFEC00  }
0x66: {  	[bflag:$0x0] =	sbarrier.arrive $0xFFFF;
	s25 =	sadd.s32 s4, s11  }
0x67: {  	[hbm:s25], [sflag:s7] =	dma.local [spmem:s13], $0x2700  }
0x68: {  	_ =	swait.ge [sflag:s14], $0x2700  }
0x69: {  	s3 =	sadd.s32 $0x1, s3;
	[sflag:s14] =	ssyncset.done $0x0  }
0x6a: {  	s25 =	sadd.s32 @!p0 $0x27000, s11;
	p1 =	sne.s32 s3, s12;
	[sflag:s14] =	ssyncadd.s32 $0xFFFFD900  }
0x6b: {  	[hbm:s25], [sflag:s7] =	dma.local @!p0 [spmem:s15], $0x100  }
.Ltmp2:
0x6c: {  	_ = 	snop;
	(pc) =	sbr.rel @p1 .LBB2_1-.Ltmp2, $4  }
0x6d: {  	s25 =	simm.s32 @!p0 $0x3  }
0x6e: {  	_ =	swait.ge @!p0 [sflag:s25], $0x100  }
0x6f: {  	[sflag:s25] =	ssyncset.done @!p0 $0x0  }
0x70: {  	[sflag:s25] =	ssyncadd.s32 @!p0 $0xFFFFFF00  }
0x71: {  	_ =	sfence.sel $0x180000  }
0x72: {  	[bflag:$0x0] =	sbarrier.arrive $0xFFFF  }
0x73: {  	p0 =	sne.s32 s0, $0x0;
	_ =	strace $0x9000004A  }
0x74: {  	s0 =	sadd.s32 @!p0 $0x100000, s1;
	[bflag:$0x2] =	sbarrier.arrive $0xFFFF  }
0x75: {  	[sflag:s0] =	ssyncadd.tile.s32 @!p0 $0x1;
	_ =	shalt  }
.Lfunc_end2:
_tile_overlayer_lowered:
.L_overlay_start_2:
0x76: {  	(tag) =	ssettag $0x2  }
0x77: {  	s0 =	rddreg [dreg:$0x0];
	s2 =	stileid.u32  }
0x78: {  	s1 =	rddreg [dreg:$0x1];
	p0 =	sne.s32 s2, $0x0  }
0x79: {  	s3 =	rddreg [dreg:$0x2];
	[bflag:$0x3] =	sbarrier.arrive $0xFFFF;
	s2 =	simm.s32 @!p0 $0x1C03  }
0x7a: {  	[timem:s3], [sflag:s2] =	dma.local @!p0 [hbm:s0], s1  }
0x7b: {  	s0 =	simm.s32 @!p0 $0x3  }
0x7c: {  	_ =	swait.ge @!p0 [sflag:s0], s1  }
0x7d: {  	s1 =	ssub.s32 @!p0 $0x0, s1;
	[sflag:s0] =	ssyncset.done @!p0 $0x0  }
0x7e: {  	[sflag:s0] =	ssyncadd.s32 @!p0 s1  }
0x7f: {  	[bflag:$0x3] =	sbarrier.arrive $0xFFFF  }
0x80: {  	_ =	shalt  }

// kernel: kernel.14.cloned.1.call-start
scs
__scs_entry_jumppad:
0x0: {  	(pc) =	sbr.rel $0x88, $3  }
0x1: {  	(tag) =	ssettag $0x0;
	lr =	simm.s32 $0x1  }
0x2: {  	[smem:$0x3F80] =	sst lr;
	_ =	strace $0xD0000000  }
0x3: {  	_ = 	snop  }
0x4: {  	_ = 	snop  }
0x5: {  	_ = 	snop  }
0x6: {  	_ = 	snop  }
0x7: {  	_ = 	snop  }
__scs_overlays_trampoline_lowered:
0x8: {  	[smem:$0x3F8F] =	sst s0  }
0x9: {  	[smem:$0x3F90] =	sst s1  }
0xa: {  	[smem:$0x3F91] =	sst s2  }
0xb: {  	[smem:$0x3F92] =	sst s3  }
0xc: {  	[smem:$0x3F93] =	sst s4  }
0xd: {  	[smem:$0x3F94] =	sst s5  }
0xe: {  	[smem:$0x3F95] =	sst s6  }
0xf: {  	[smem:$0x3F96] =	sst s7  }
0x10: {  	[smem:$0x3F97] =	sst s8  }
0x11: {  	[smem:$0x3F98] =	sst s9;
	s0 =	simm.s32 @!p0 $0x0  }
0x12: {  	s1 =	sld [smem:$0x3F7E];
	s0 =	simm.s32 @p0 $0x1  }
0x13: {  	[smem:$0x3F99] =	sst s0;
	s0 =	simm.s32 @!p1 $0x0  }
0x14: {  	s2 =	sld [smem:$0x3F7D];
	s0 =	simm.s32 @p1 $0x1  }
0x15: {  	[smem:$0x3F9A] =	sst s0;
	s0 =	simm.s32 @!p2 $0x0  }
0x16: {  	s3 =	sld [smem:$0x3FDB];
	s0 =	simm.s32 @p2 $0x1  }
0x17: {  	s4 =	simm.s32 $0x1BF5;
	[smem:$0x3F9C] =	sst s0  }
0x18: {  	s0 =	sld [smem:$0x3F7F];
	_ =	swait.ge [sflag:s4], $0x0  }
0x19: {  	s7 =	sld [smem:$0x3F80]  }
0x1a: {  	s8 =	sadd.s32 $0xFFFFE003, lr  }
0x1b: {  	s9 =	sadd.s32 $0xFFFFFEF7, lr;
	s5 =	simm.s32 $0xFFFFFFFF;
	p2 =	slt.u32 s8, $0xFFFFF086  }
0x1c: {  	p1 =	slt.u32 s9, $0xF7A;
	s5 =	simm.s32 @!p2 $0x0  }
0x1d: {  	s5 =	simm.s32 @p1 $0x1;
	p0 =	seq.s32 s7, s2  }
0x1e: {  	s7 =	smul.u32 @!p0 $0xF7A, s2;
	p2 =	seq.s32 @!p0 s5, $0x0  }
0x1f: {  	s9 =	smul.u32 $0xF7A, s1;
	s8 =	simm.s32 @!p0 $0x1BF5;
	p2 =	por !p2, p0  }
0x20: {  	[sflag:s8] =	ssyncset.s32 @!p0 $0xFFFFF086;
	s6 =	sadd.s32 @!p0 s3, s7;
	s7 =	simm.s32 @!p0 $0x108  }
0x21: {  	s3 =	sadd.s32 s3, s9;
	s6 =	sadd.s32 @!p0 $0x88, s6;
	s7 =	simm.s32 @p2 $0x1082  }
0x22: {  	[simem:s7], [sflag:s8] =	dma.local @!p0 [hbm:s6], $0xF7A  }
0x23: {  	s9 =	sor.u32 $0xD0000000, s2;
	s6 =	simm.s32 $0x108;
	_ =	swait.ge @!p0 [sflag:s8], $0x0  }
0x24: {  	s3 =	sadd.s32 $0x88, s3;
	s6 =	simm.s32 @!p1 $0x1082;
	[sflag:s4] =	ssyncset.s32 $0xFFFFF086  }
0x25: {  	[simem:s6], [sflag:s4] =	dma.local [hbm:s3], $0xF7A  }
0x26: {  	[smem:$0x3F80] =	sst s1;
	(tag) =	ssettag s2;
	_ =	strace s9  }
0x27: {  	s1 =	sld [smem:$0x3F90]  }
0x28: {  	s2 =	sld [smem:$0x3F91]  }
0x29: {  	s4 =	sld [smem:$0x3F93]  }
0x2a: {  	p0 =	seq.s32 s5, $0x0;
	s5 =	sld [smem:$0x3F94]  }
0x2b: {  	s6 =	sld [smem:$0x3F95]  }
0x2c: {  	s7 =	sld [smem:$0x3F96]  }
0x2d: {  	s3 =	simm.s32 $0x108;
	s8 =	sld [smem:$0x3F97]  }
0x2e: {  	s3 =	simm.s32 @!p0 $0x1082;
	s9 =	sld [smem:$0x3F98]  }
0x2f: {  	lr =	sadd.s32 s0, s3;
	s0 =	sld [smem:$0x3F8F]  }
0x30: {  	s3 =	sld [smem:$0x3F92]  }
0x31: {  	[smem:$0x3F9B] =	sst s10  }
0x32: {  	s10 =	sld [smem:$0x3F99];
	_ =	sdelay $0x3  }
0x33: {  	p0 =	seq.s32 s10, $0x1;
	s10 =	sld [smem:$0x3F9B];
	_ =	sdelay $0x3  }
0x34: {  	[smem:$0x3F9B] =	sst s10  }
0x35: {  	s10 =	sld [smem:$0x3F9A];
	_ =	sdelay $0x3  }
0x36: {  	p1 =	seq.s32 s10, $0x1;
	s10 =	sld [smem:$0x3F9B];
	_ =	sdelay $0x3  }
0x37: {  	[smem:$0x3F9B] =	sst s10  }
0x38: {  	s10 =	sld [smem:$0x3F9C]  }
0x39: {  	_ = 	snop;
	(pc) =	sbr.ind lr, $3  }
0x3a: {  	_ = 	snop  }
0x3b: {  	_ = 	snop  }
0x3c: {  	p2 =	seq.s32 s10, $0x1;
	s10 =	sld [smem:$0x3F9B]  }
0x3d: {  	_ =	shalt  }
0x3e: {  	_ =	shalt  }
0x3f: {  	_ =	shalt  }
0x40: {  	_ =	shalt  }
0x41: {  	_ =	shalt  }
0x42: {  	_ =	shalt  }
0x43: {  	_ =	shalt  }
0x44: {  	_ =	shalt  }
0x45: {  	_ =	shalt  }
0x46: {  	_ =	shalt  }
0x47: {  	_ =	shalt  }
0x48: {  	_ =	shalt  }
0x49: {  	_ =	shalt  }
0x4a: {  	_ =	shalt  }
0x4b: {  	_ =	shalt  }
0x4c: {  	_ =	shalt  }
0x4d: {  	_ =	shalt  }
0x4e: {  	_ =	shalt  }
0x4f: {  	_ =	shalt  }
0x50: {  	_ =	shalt  }
0x51: {  	_ =	shalt  }
0x52: {  	_ =	shalt  }
0x53: {  	_ =	shalt  }
0x54: {  	_ =	shalt  }
0x55: {  	_ =	shalt  }
0x56: {  	_ =	shalt  }
0x57: {  	_ =	shalt  }
0x58: {  	_ =	shalt  }
0x59: {  	_ =	shalt  }
0x5a: {  	_ =	shalt  }
0x5b: {  	_ =	shalt  }
0x5c: {  	_ =	shalt  }
0x5d: {  	_ =	shalt  }
0x5e: {  	_ =	shalt  }
0x5f: {  	_ =	shalt  }
0x60: {  	_ =	shalt  }
0x61: {  	_ =	shalt  }
0x62: {  	_ =	shalt  }
0x63: {  	_ =	shalt  }
0x64: {  	_ =	shalt  }
0x65: {  	_ =	shalt  }
0x66: {  	_ =	shalt  }
0x67: {  	_ =	shalt  }
0x68: {  	_ =	shalt  }
0x69: {  	_ =	shalt  }
0x6a: {  	_ =	shalt  }
0x6b: {  	_ =	shalt  }
0x6c: {  	_ =	shalt  }
0x6d: {  	_ =	shalt  }
0x6e: {  	_ =	shalt  }
0x6f: {  	_ =	shalt  }
0x70: {  	_ =	shalt  }
0x71: {  	_ =	shalt  }
0x72: {  	_ =	shalt  }
0x73: {  	_ =	shalt  }
0x74: {  	_ =	shalt  }
0x75: {  	_ =	shalt  }
0x76: {  	_ =	shalt  }
0x77: {  	_ =	shalt  }
0x78: {  	_ =	shalt  }
0x79: {  	_ =	shalt  }
0x7a: {  	_ =	shalt  }
0x7b: {  	_ =	shalt  }
0x7c: {  	_ =	shalt  }
0x7d: {  	_ =	shalt  }
0x7e: {  	_ =	shalt  }
0x7f: {  	_ =	shalt  }
0x80: {  	_ =	shalt  }
0x81: {  	_ =	shalt  }
0x82: {  	_ =	shalt  }
0x83: {  	_ =	shalt  }
0x84: {  	_ =	shalt  }
0x85: {  	_ =	shalt  }
0x86: {  	_ =	shalt  }
0x87: {  	_ =	shalt  }
.Lfunc_end0:
.L_simem_size_0:
called_computation.2_lowered:
.L_overlay_start_0:
0x88: {  	s2 =	sld [smem:$0x3FD9]  }
0x89: {  	s3 =	sld [smem:$0x3FFE];
	_ =	sdelay $0x1  }
0x8a: {  	s1 =	srdreg.scid  }
0x8b: {  	s0 =	sand.u32 $0x1, s1  }
0x8c: {  	s16 =	sshll.u32 s0, $0xA;
	s2 =	sadd.s32 s3, s2  }
0x8d: {  	s2 =	sadd.s32 s2, s16  }
0x8e: {  	[smem:$0x3FA7] =	sst s2  }
0x8f: {  	_ = 	snop  }
0x90: {  	(tm) =	ssettm $0x1  }
0x91: {  	s17 =	sld [smem:$0x3FFB];
	_ =	sdelay $0x3  }
0x92: {  	_ =	strace s17  }
0x93: {  	s2 =	sld [smem:$0x3FFC];
	_ =	sdelay $0x3  }
0x94: {  	_ =	strace s2  }
0x95: {  	s2 =	sld [smem:$0x3FFD];
	_ =	sdelay $0x3  }
0x96: {  	_ =	strace s2  }
0x97: {  	_ =	strace $0x8FFFFFFF  }
0x98: {  	s18 =	sld [smem:$0x3FDB];
	_ =	sdelay $0x1  }
0x99: {  	s19 =	simm.s32 $_scs_section_size  }
0x9a: {  	s4 =	simm.s32 $_size__tile_overlayer_lowered;
	s5 =	simm.s32 $_tile_overlayer_lowered  }
0x9b: {  	s22 =	simm.s32 $0x1BFF;
	s21 =	sshll.u32 s5, $0x1;
	s2 =	sadd.s32 s19, s18  }
0x9c: {  	s6 =	simm.s32 $0x0;
	s20 =	sshll.u32 s4, $0x1;
	s4 =	sadd.s32 s21, s2  }
0x9d: {  	[timem:s6], [sflag:s22] =	dma.local [hbm:s4], s20  }
0x9e: {  	_ =	swait.ge [sflag:s22], s20  }
0x9f: {  	s3 =	ssub.s32 $0x0, s20;
	[sflag:s22] =	ssyncset.done $0x0  }
0xa0: {  	[sflag:s22] =	ssyncadd.s32 s3;
	_ =	sdelay $0x1  }
0xa1: {  	s23 =	simm.s32 $0x1B8B  }
0xa2: {  	_ =	swait.ge [sflag:s23], $0x1  }
0xa3: {  	[sflag:s23] =	ssyncset.done $0x0  }
0xa4: {  	s25 =	simm.s32 $0x1B8E;
	s24 =	sld [smem:$0x3FFE];
	[sflag:s23] =	ssyncadd.s32 $0xFFFFFFFF  }
0xa5: {  	s26 =	simm.s32 $execute0_lowered;
	[smem:$0x3FD2] =	sst s25  }
0xa6: {  	s4 =	sshll.u32 s26, $0x1;
	_ =	strace $0x8000004C;
	[dreg:$0x1] =	wrdreg $0xFFFFFFFF  }
0xa7: {  	s28 =	simm.s32 $_size_execute0_lowered;
	s2 =	sadd.s32 s2, s4;
	[dreg:$0x0] =	wrdreg $0x0  }
0xa8: {  	s4 =	sshll.u32 s28, $0x1;
	[dreg:$0x2] =	wrdreg s2  }
0xa9: {  	[dreg:$0x3] =	wrdreg s4  }
0xaa: {  	[dreg:$0x4] =	wrdreg $0xC0  }
0xab: {  	_ =	task [dreg:s6], $0x5FFFF  }
0xac: {  	[dreg:$0x1] =	wrdreg $0xFFFFFFFF  }
0xad: {  	[dreg:$0x0] =	wrdreg $0x60  }
0xae: {  	[dreg:$0x2] =	wrdreg s24  }
0xaf: {  	[dreg:$0x3] =	wrdreg $0x60000  }
0xb0: {  	[dreg:$0x4] =	wrdreg $0x9  }
0xb1: {  	_ =	task.clear_ibuf [dreg:s6], $0x5FFFF;
	_ =	strace $0x9000004C  }
0xb2: {  	s29 =	simm.s32 $0x9;
	_ =	strace $0x8000004E  }
0xb3: {  	_ =	swait.ge [sflag:s29], $0x1  }
0xb4: {  	[sflag:s29] =	ssyncadd.s32 $0xFFFFFFFF  }
0xb5: {  	_ =	strace $0x9000004E  }
0xb6: {  	_ =	sfence  }
0xb7: {  	s30 =	sld [smem:$0x0];
	_ =	sdelay $0x2  }
0xb8: {  	s31 =	sshll.u32 s1, $0xD;
	s1 =	sshrl.u32 s1, $0x2  }
0xb9: {  	s3 =	sand.u32 $0x4000, s31;
	s1 =	sadd.s32 s1, s30  }
0xba: {  	s0 =	sor.u32 s3, s0;
	s1 =	sshll.u32 s1, $0x11  }
0xbb: {  	s0 =	sor.u32 s1, s0  }
0xbc: {  	s0 =	sadd.s32 $0x8F2B, s0  }
0xbd: {  	[sflag:s0] =	ssyncadd.remote.s32 $0x1  }
0xbe: {  	_ =	sfence.sel $0xFFFF  }
0xbf: {  	[dreg:$0x0] =	wrdreg $0xFFFFFFFF;
	(pc) =	sbr.abs _section_cstart, $3  }
0xc0: {  	[dreg:$0x1] =	wrdreg $0xFFFFFFFF  }
0xc1: {  	_ =	task.clear_ibuf [dreg:s6], $0x2FFFF;
	_ =	strace $0x9FFFFFFF  }
0xc2: {  	(tm) =	ssettm $0x7FFFFFFF  }
0xc3: {  	_ =	shalt  }
tec
execute0_lowered:
.L_overlay_start_1:
0x0: {  	(tag) =	ssettag $0x1  }
0x1: {  	s8 =	rddreg [dreg:$0x0]  }
0x2: {  	s0 =	srdreg.scid;
	s2 =	rddreg [dreg:$0x1];
	s3 =	simm.s32 $0x0  }
0x3: {  	s16 =	simm.s32 $0x1C00;
	s17 =	simm.s32 $0x28;
	s18 =	simm.s32 $0x3800  }
0x4: {  	s19 =	simm.s32 $0x4C00;
	s20 =	simm.s32 $0x1;
	s21 =	simm.s32 $0x2  }
0x5: {  	s22 =	simm.s32 $0x1880;
	s6 =	sand.u32 $0x1, s0;
	s0 =	stileid.u32  }
0x6: {  	s23 =	simm.s32 $0x3400;
	s24 =	simm.s32 $0x3480;
	s4 =	smul.u32 $0x2700, s0  }
0x7: {  	[smem:$0x7FF] =	sst s3;
	s5 =	sadd.s32 $0x71000, s8;
	s9 =	smul.u32 $0x27100, s6  }
0x8: {  	s15 =	sadd.s32 $0x138000, s2;
	s1 =	sshll.u32 s6, $0x4;
	s10 =	smul.u32 $0x4E000, s0  }
0x9: {  	s6 =	ssub.s32 $0x2, s6;
	s31 =	sshll.u32 s0, $0x6;
	p0 =	sne.s32 s0, $0xF  }
0xa: {  	s1 =	sor.u32 s0, s1;
	s30 =	sshrl.u32 s6, $0x1;
	s15 =	sshrl.u32 @!p0 s15, $0x3  }
0xb: {  	s7 =	smul.u32 $0x1180, s1;
	s1 =	rddreg [dreg:$0x2];
	_ =	strace $0x8000004D  }
0xc: {  	s29 =	sadd.s32 s4, s8;
	s12 =	sadd.s32 s9, s8;
	s10 =	sshrl.u32 s10, $0x2  }
0xd: {  	s13 =	ssub.s32 s6, s30;
	s14 =	sadd.s32 s10, s2;
	s6 =	sadd.s32 $0x49E00, s29  }
0xe: {  	s11 =	sadd.s32 s7, s8;
	s7 =	sor.u32 $0x1C03, s31;
	s8 =	sadd.s32 $0x70E00, s8  }
0xf: {  	s9 =	sadd.s32 $0x3E00, s11;
	s10 =	sadd.s32 $0x26E00, s11;
	s11 =	sadd.s32 $0x98200, s12  }
0x10: {  	s12 =	smax.u32 s13, $0x1;
	s13 =	sshrl.u32 s14, $0x3;
	s14 =	simm.s32 $0x3  }
.LBB2_1:
0x11: {  	[spmem:s13], [sflag:s7] =	dma.local [hbm:s6], $0x2700  }
0x12: {  	_ =	swait.ge [sflag:s14], $0x2700  }
0x13: {  	[sflag:s14] =	ssyncset.done $0x0  }
0x14: {  	s25 =	simm.s32 @!p0 $0x3;
	[sflag:s14] =	ssyncadd.s32 $0xFFFFD900  }
0x15: {  	[spmem:s15], [sflag:s7] =	dma.local @!p0 [hbm:s8], $0x100  }
0x16: {  	_ =	swait.ge @!p0 [sflag:s25], $0x100  }
0x17: {  	[sflag:s25] =	ssyncset.done @!p0 $0x0  }
0x18: {  	[sflag:s25] =	ssyncadd.s32 @!p0 $0xFFFFFF00  }
0x19: {  	s25 =	simm.s32 $0x0;
	[bflag:$0x0] =	sbarrier.arrive $0xFFFF  }
.LBB2_2:
0x1a: {  	s26 =	smul.u32 $0x380, s25;
	_ =	sdelay $0x1  }
0x1b: {  	s29 =	simm.s32 $0x0;
	s28 =	sadd.s32 s26, s9  }
0x1c: {  	[tilespmem:s29], [sflag:$0x3] =	stream.linear.gather [hbm4b:s28+s29], $0x1900, $0x38;
	[tilespmem:$0x19880] =	vst v63  }
0x1d: {  	_ =	swait.ge [sflag:s14], $0x1900  }
0x1e: {  	[sflag:s14] =	ssyncset.done $0x0  }
0x1f: {  	s26 =	sadd.s32 s26, s10;
	[sflag:s14] =	ssyncadd.s32 $0xFFFFE700  }
0x20: {  	[tilespmem:s16], [sflag:$0x3] =	stream.linear.gather [hbm4b:s26+s29], $0x1900, $0x38;
	[tilespmem:$0x19880] =	vst v63  }
0x21: {  	_ =	swait.ge [sflag:s14], $0x1900  }
0x22: {  	[sflag:s14] =	ssyncset.done $0x0  }
0x23: {  	[sflag:s14] =	ssyncadd.s32 $0xFFFFE700  }
0x24: {  	[tilespmem:s18], [sflag:$0x1] =	stream.indirect.gather [hbm4b:s5+s17], $0x80, s29, s17, $0xb8;
	[tilespmem:$0x19880] =	vst v63  }
0x25: {  	s31 =	simm.s32 $0x80  }
0x26: {  	[tilespmem:s19], [sflag:$0x2] =	stream.indirect.gather [hbm4b:s5+s17], $0x80, s31, s17, $0xb8;
	[tilespmem:$0x19880] =	vst v63  }
0x27: {  	_ =	swait.ge [sflag:s20], $0x1400  }
0x28: {  	[sflag:s20] =	ssyncset.done $0x0  }
0x29: {  	s29 =	simm.s32 $0x1C00;
	[sflag:s20] =	ssyncadd.s32 $0xFFFFEC00  }
0x2a: {  	[spmem:s2] =	stream.indirect.scatter.add.f32 [tilespmem:s18], [sflag:$0x3], $0x80, s29, s17, $0xb8;
	[tilespmem:$0x19880] =	vst v63  }
0x2b: {  	_ =	swait.ge [sflag:s14], $0x1400  }
0x2c: {  	[sflag:s14] =	ssyncset.done $0x0  }
0x2d: {  	s30 =	simm.s32 $0x100;
	[sflag:s14] =	ssyncadd.s32 $0xFFFFEC00  }
0x2e: {  	[tilespmem:s18], [sflag:$0x1] =	stream.indirect.gather [hbm4b:s5+s17], $0x80, s30, s17, $0xb8;
	[tilespmem:$0x19880] =	vst v63  }
0x2f: {  	_ =	swait.ge [sflag:s21], $0x1400  }
0x30: {  	[sflag:s21] =	ssyncset.done $0x0  }
0x31: {  	s31 =	simm.s32 $0x1C80;
	[sflag:s21] =	ssyncadd.s32 $0xFFFFEC00  }
0x32: {  	[spmem:s2] =	stream.indirect.scatter.add.f32 [tilespmem:s19], [sflag:$0x3], $0x80, s31, s17, $0xb8;
	[tilespmem:$0x19880] =	vst v63  }
0x33: {  	_ =	swait.ge [sflag:s14], $0x1400  }
0x34: {  	s28 =	simm.s32 $0x800;
	s26 =	simm.s32 $0x100;
	[sflag:s14] =	ssyncset.done $0x0  }
.LBB2_3:
0x35: {  	s29 =	sadd.s32 $0x80, s26  }
0x36: {  	[sflag:s14] =	ssyncadd.s32 $0xFFFFEC00;
	s30 =	smov.u32 s28;
	s31 =	sadd.s32 $0x400, s28  }
0x37: {  	[tilespmem:s19], [sflag:$0x2] =	stream.indirect.gather [hbm4b:s5+s17], $0x80, s29, s17, $0xb8;
	[tilespmem:$0x19880] =	vst v63  }
0x38: {  	p1 =	sne.s32 s28, $0x5C00;
	_ =	swait.ge [sflag:s20], $0x1400  }
0x39: {  	[sflag:s20] =	ssyncset.done $0x0  }
0x3a: {  	s28 =	sadd.s32 $0x1C00, s26;
	[sflag:s20] =	ssyncadd.s32 $0xFFFFEC00  }
0x3b: {  	[spmem:s2] =	stream.indirect.scatter.add.f32 [tilespmem:s18], [sflag:$0x3], $0x80, s28, s17, $0xb8;
	[tilespmem:$0x19880] =	vst v63  }
0x3c: {  	_ =	swait.ge [sflag:s14], $0x1400  }
0x3d: {  	[sflag:s14] =	ssyncset.done $0x0  }
0x3e: {  	s28 =	sadd.s32 $0x100, s26;
	[sflag:s14] =	ssyncadd.s32 $0xFFFFEC00  }
0x3f: {  	[tilespmem:s18], [sflag:$0x1] =	stream.indirect.gather [hbm4b:s5+s17], $0x80, s28, s17, $0xb8;
	[tilespmem:$0x19880] =	vst v63  }
0x40: {  	_ =	swait.ge [sflag:s21], $0x1400  }
.Ltmp0:
0x41: {  	[sflag:s21] =	ssyncset.done $0x0;
	(pc) =	sbr.rel @p1 .LBB2_3-.Ltmp0, $4  }
0x42: {  	s26 =	sadd.s32 $0x1C80, s26;
	[sflag:s21] =	ssyncadd.s32 $0xFFFFEC00  }
0x43: {  	[spmem:s2] =	stream.indirect.scatter.add.f32 [tilespmem:s19], [sflag:$0x3], $0x80, s26, s17, $0xb8;
	[tilespmem:$0x19880] =	vst v63  }
0x44: {  	_ =	swait.ge [sflag:s14], $0x1400  }
0x45: {  	s28 =	smov.u32 s31;
	s26 =	sshra.s32 s30, $0x2;
	[sflag:s14] =	ssyncset.done $0x0  }
0x46: {  	s28 =	sadd.s32 $0x80, s26;
	[sflag:s14] =	ssyncadd.s32 $0xFFFFEC00  }
0x47: {  	[tilespmem:s19], [sflag:$0x2] =	stream.indirect.gather [hbm4b:s5+s17], $0x80, s28, s17, $0xb8;
	[tilespmem:$0x19880] =	vst v63  }
0x48: {  	_ =	swait.ge [sflag:s20], $0x1400  }
0x49: {  	[sflag:s20] =	ssyncset.done $0x0  }
0x4a: {  	s29 =	sadd.s32 $0x1C00, s26;
	[sflag:s20] =	ssyncadd.s32 $0xFFFFEC00  }
0x4b: {  	[spmem:s2] =	stream.indirect.scatter.add.f32 [tilespmem:s18], [sflag:$0x3], $0x80, s29, s17, $0xb8;
	[tilespmem:$0x19880] =	vst v63  }
0x4c: {  	_ =	swait.ge [sflag:s14], $0x1400  }
0x4d: {  	[sflag:s14] =	ssyncset.done $0x0  }
0x4e: {  	s30 =	sadd.s32 $0x100, s26;
	[sflag:s14] =	ssyncadd.s32 $0xFFFFEC00  }
0x4f: {  	[tilespmem:s18], [sflag:$0x1] =	stream.indirect.gather [hbm4b:s5+s17], $0x80, s30, s17, $0xb8;
	[tilespmem:$0x19880] =	vst v63  }
0x50: {  	_ =	swait.ge [sflag:s21], $0x1400  }
0x51: {  	[sflag:s21] =	ssyncset.done $0x0  }
0x52: {  	s31 =	sadd.s32 $0x1C80, s26;
	[sflag:s21] =	ssyncadd.s32 $0xFFFFEC00  }
0x53: {  	[spmem:s2] =	stream.indirect.scatter.add.f32 [tilespmem:s19], [sflag:$0x3], $0x80, s31, s17, $0xb8;
	[tilespmem:$0x19880] =	vst v63  }
0x54: {  	_ =	swait.ge [sflag:s14], $0x1400  }
0x55: {  	[sflag:s14] =	ssyncset.done $0x0  }
0x56: {  	[sflag:s14] =	ssyncadd.s32 $0xFFFFEC00  }
0x57: {  	[tilespmem:s19], [sflag:$0x2] =	stream.indirect.gather [hbm4b:s5+s17], $0x80, s22, s17, $0xb8;
	[tilespmem:$0x19880] =	vst v63  }
0x58: {  	_ =	swait.ge [sflag:s20], $0x1400  }
0x59: {  	[sflag:s20] =	ssyncset.done $0x0  }
0x5a: {  	[sflag:s20] =	ssyncadd.s32 $0xFFFFEC00  }
0x5b: {  	[spmem:s2] =	stream.indirect.scatter.add.f32 [tilespmem:s18], [sflag:$0x3], $0x80, s23, s17, $0xb8;
	[tilespmem:$0x19880] =	vst v63  }
0x5c: {  	_ =	swait.ge [sflag:s14], $0x1400  }
0x5d: {  	[sflag:s14] =	ssyncset.done $0x0  }
0x5e: {  	[sflag:s14] =	ssyncadd.s32 $0xFFFFEC00  }
0x5f: {  	s25 =	sadd.s32 $0x1, s25;
	_ =	swait.ge [sflag:s21], $0x1400  }
0x60: {  	p1 =	sne.s32 s25, $0x5;
	[sflag:s21] =	ssyncset.done $0x0  }
.Ltmp1:
0x61: {  	[sflag:s21] =	ssyncadd.s32 $0xFFFFEC00;
	(pc) =	sbr.rel @p1 .LBB2_2-.Ltmp1, $4  }
0x62: {  	[spmem:s2] =	stream.indirect.scatter.add.f32 [tilespmem:s19], [sflag:$0x3], $0x80, s24, s17, $0xb8;
	[tilespmem:$0x19880] =	vst v63  }
0x63: {  	_ =	swait.ge [sflag:s14], $0x1400  }
0x64: {  	[sflag:s14] =	ssyncset.done $0x0  }
0x65: {  	[sflag:s14] =	ssyncadd.s32 $0xFFFFEC00  }
0x66: {  	[bflag:$0x0] =	sbarrier.arrive $0xFFFF;
	s25 =	sadd.s32 s4, s11  }
0x67: {  	[hbm:s25], [sflag:s7] =	dma.local [spmem:s13], $0x2700  }
0x68: {  	_ =	swait.ge [sflag:s14], $0x2700  }
0x69: {  	s3 =	sadd.s32 $0x1, s3;
	[sflag:s14] =	ssyncset.done $0x0  }
0x6a: {  	s25 =	sadd.s32 @!p0 $0x27000, s11;
	p1 =	sne.s32 s3, s12;
	[sflag:s14] =	ssyncadd.s32 $0xFFFFD900  }
0x6b: {  	[hbm:s25], [sflag:s7] =	dma.local @!p0 [spmem:s15], $0x100  }
.Ltmp2:
0x6c: {  	_ = 	snop;
	(pc) =	sbr.rel @p1 .LBB2_1-.Ltmp2, $4  }
0x6d: {  	s25 =	simm.s32 @!p0 $0x3  }
0x6e: {  	_ =	swait.ge @!p0 [sflag:s25], $0x100  }
0x6f: {  	[sflag:s25] =	ssyncset.done @!p0 $0x0  }
0x70: {  	[sflag:s25] =	ssyncadd.s32 @!p0 $0xFFFFFF00  }
0x71: {  	_ =	sfence.sel $0x180000  }
0x72: {  	[bflag:$0x0] =	sbarrier.arrive $0xFFFF  }
0x73: {  	p0 =	sne.s32 s0, $0x0;
	_ =	strace $0x9000004D  }
0x74: {  	s0 =	sadd.s32 @!p0 $0x100000, s1;
	[bflag:$0x2] =	sbarrier.arrive $0xFFFF  }
0x75: {  	[sflag:s0] =	ssyncadd.tile.s32 @!p0 $0x1;
	_ =	shalt  }
.Lfunc_end2:
_tile_overlayer_lowered:
.L_overlay_start_2:
0x76: {  	(tag) =	ssettag $0x2  }
0x77: {  	s0 =	rddreg [dreg:$0x0];
	s2 =	stileid.u32  }
0x78: {  	s1 =	rddreg [dreg:$0x1];
	p0 =	sne.s32 s2, $0x0  }
0x79: {  	s3 =	rddreg [dreg:$0x2];
	[bflag:$0x3] =	sbarrier.arrive $0xFFFF;
	s2 =	simm.s32 @!p0 $0x1C03  }
0x7a: {  	[timem:s3], [sflag:s2] =	dma.local @!p0 [hbm:s0], s1  }
0x7b: {  	s0 =	simm.s32 @!p0 $0x3  }
0x7c: {  	_ =	swait.ge @!p0 [sflag:s0], s1  }
0x7d: {  	s1 =	ssub.s32 @!p0 $0x0, s1;
	[sflag:s0] =	ssyncset.done @!p0 $0x0  }
0x7e: {  	[sflag:s0] =	ssyncadd.s32 @!p0 s1  }
0x7f: {  	[bflag:$0x3] =	sbarrier.arrive $0xFFFF  }
0x80: {  	_ =	shalt  }

// kernel: kernel.8.cloned.1.call-start
scs
__scs_entry_jumppad:
0x0: {  	(pc) =	sbr.rel $0x88, $3  }
0x1: {  	(tag) =	ssettag $0x0;
	lr =	simm.s32 $0x1  }
0x2: {  	[smem:$0x3F80] =	sst lr;
	_ =	strace $0xD0000000  }
0x3: {  	_ = 	snop  }
0x4: {  	_ = 	snop  }
0x5: {  	_ = 	snop  }
0x6: {  	_ = 	snop  }
0x7: {  	_ = 	snop  }
__scs_overlays_trampoline_lowered:
0x8: {  	[smem:$0x3F8F] =	sst s0  }
0x9: {  	[smem:$0x3F90] =	sst s1  }
0xa: {  	[smem:$0x3F91] =	sst s2  }
0xb: {  	[smem:$0x3F92] =	sst s3  }
0xc: {  	[smem:$0x3F93] =	sst s4  }
0xd: {  	[smem:$0x3F94] =	sst s5  }
0xe: {  	[smem:$0x3F95] =	sst s6  }
0xf: {  	[smem:$0x3F96] =	sst s7  }
0x10: {  	[smem:$0x3F97] =	sst s8  }
0x11: {  	[smem:$0x3F98] =	sst s9;
	s0 =	simm.s32 @!p0 $0x0  }
0x12: {  	s1 =	sld [smem:$0x3F7E];
	s0 =	simm.s32 @p0 $0x1  }
0x13: {  	[smem:$0x3F99] =	sst s0;
	s0 =	simm.s32 @!p1 $0x0  }
0x14: {  	s2 =	sld [smem:$0x3F7D];
	s0 =	simm.s32 @p1 $0x1  }
0x15: {  	[smem:$0x3F9A] =	sst s0;
	s0 =	simm.s32 @!p2 $0x0  }
0x16: {  	s3 =	sld [smem:$0x3FDB];
	s0 =	simm.s32 @p2 $0x1  }
0x17: {  	s4 =	simm.s32 $0x1BF5;
	[smem:$0x3F9C] =	sst s0  }
0x18: {  	s0 =	sld [smem:$0x3F7F];
	_ =	swait.ge [sflag:s4], $0x0  }
0x19: {  	s7 =	sld [smem:$0x3F80]  }
0x1a: {  	s8 =	sadd.s32 $0xFFFFE003, lr  }
0x1b: {  	s9 =	sadd.s32 $0xFFFFFEF7, lr;
	s5 =	simm.s32 $0xFFFFFFFF;
	p2 =	slt.u32 s8, $0xFFFFF086  }
0x1c: {  	p1 =	slt.u32 s9, $0xF7A;
	s5 =	simm.s32 @!p2 $0x0  }
0x1d: {  	s5 =	simm.s32 @p1 $0x1;
	p0 =	seq.s32 s7, s2  }
0x1e: {  	s7 =	smul.u32 @!p0 $0xF7A, s2;
	p2 =	seq.s32 @!p0 s5, $0x0  }
0x1f: {  	s9 =	smul.u32 $0xF7A, s1;
	s8 =	simm.s32 @!p0 $0x1BF5;
	p2 =	por !p2, p0  }
0x20: {  	[sflag:s8] =	ssyncset.s32 @!p0 $0xFFFFF086;
	s6 =	sadd.s32 @!p0 s3, s7;
	s7 =	simm.s32 @!p0 $0x108  }
0x21: {  	s3 =	sadd.s32 s3, s9;
	s6 =	sadd.s32 @!p0 $0x88, s6;
	s7 =	simm.s32 @p2 $0x1082  }
0x22: {  	[simem:s7], [sflag:s8] =	dma.local @!p0 [hbm:s6], $0xF7A  }
0x23: {  	s9 =	sor.u32 $0xD0000000, s2;
	s6 =	simm.s32 $0x108;
	_ =	swait.ge @!p0 [sflag:s8], $0x0  }
0x24: {  	s3 =	sadd.s32 $0x88, s3;
	s6 =	simm.s32 @!p1 $0x1082;
	[sflag:s4] =	ssyncset.s32 $0xFFFFF086  }
0x25: {  	[simem:s6], [sflag:s4] =	dma.local [hbm:s3], $0xF7A  }
0x26: {  	[smem:$0x3F80] =	sst s1;
	(tag) =	ssettag s2;
	_ =	strace s9  }
0x27: {  	s1 =	sld [smem:$0x3F90]  }
0x28: {  	s2 =	sld [smem:$0x3F91]  }
0x29: {  	s4 =	sld [smem:$0x3F93]  }
0x2a: {  	p0 =	seq.s32 s5, $0x0;
	s5 =	sld [smem:$0x3F94]  }
0x2b: {  	s6 =	sld [smem:$0x3F95]  }
0x2c: {  	s7 =	sld [smem:$0x3F96]  }
0x2d: {  	s3 =	simm.s32 $0x108;
	s8 =	sld [smem:$0x3F97]  }
0x2e: {  	s3 =	simm.s32 @!p0 $0x1082;
	s9 =	sld [smem:$0x3F98]  }
0x2f: {  	lr =	sadd.s32 s0, s3;
	s0 =	sld [smem:$0x3F8F]  }
0x30: {  	s3 =	sld [smem:$0x3F92]  }
0x31: {  	[smem:$0x3F9B] =	sst s10  }
0x32: {  	s10 =	sld [smem:$0x3F99];
	_ =	sdelay $0x3  }
0x33: {  	p0 =	seq.s32 s10, $0x1;
	s10 =	sld [smem:$0x3F9B];
	_ =	sdelay $0x3  }
0x34: {  	[smem:$0x3F9B] =	sst s10  }
0x35: {  	s10 =	sld [smem:$0x3F9A];
	_ =	sdelay $0x3  }
0x36: {  	p1 =	seq.s32 s10, $0x1;
	s10 =	sld [smem:$0x3F9B];
	_ =	sdelay $0x3  }
0x37: {  	[smem:$0x3F9B] =	sst s10  }
0x38: {  	s10 =	sld [smem:$0x3F9C]  }
0x39: {  	_ = 	snop;
	(pc) =	sbr.ind lr, $3  }
0x3a: {  	_ = 	snop  }
0x3b: {  	_ = 	snop  }
0x3c: {  	p2 =	seq.s32 s10, $0x1;
	s10 =	sld [smem:$0x3F9B]  }
0x3d: {  	_ =	shalt  }
0x3e: {  	_ =	shalt  }
0x3f: {  	_ =	shalt  }
0x40: {  	_ =	shalt  }
0x41: {  	_ =	shalt  }
0x42: {  	_ =	shalt  }
0x43: {  	_ =	shalt  }
0x44: {  	_ =	shalt  }
0x45: {  	_ =	shalt  }
0x46: {  	_ =	shalt  }
0x47: {  	_ =	shalt  }
0x48: {  	_ =	shalt  }
0x49: {  	_ =	shalt  }
0x4a: {  	_ =	shalt  }
0x4b: {  	_ =	shalt  }
0x4c: {  	_ =	shalt  }
0x4d: {  	_ =	shalt  }
0x4e: {  	_ =	shalt  }
0x4f: {  	_ =	shalt  }
0x50: {  	_ =	shalt  }
0x51: {  	_ =	shalt  }
0x52: {  	_ =	shalt  }
0x53: {  	_ =	shalt  }
0x54: {  	_ =	shalt  }
0x55: {  	_ =	shalt  }
0x56: {  	_ =	shalt  }
0x57: {  	_ =	shalt  }
0x58: {  	_ =	shalt  }
0x59: {  	_ =	shalt  }
0x5a: {  	_ =	shalt  }
0x5b: {  	_ =	shalt  }
0x5c: {  	_ =	shalt  }
0x5d: {  	_ =	shalt  }
0x5e: {  	_ =	shalt  }
0x5f: {  	_ =	shalt  }
0x60: {  	_ =	shalt  }
0x61: {  	_ =	shalt  }
0x62: {  	_ =	shalt  }
0x63: {  	_ =	shalt  }
0x64: {  	_ =	shalt  }
0x65: {  	_ =	shalt  }
0x66: {  	_ =	shalt  }
0x67: {  	_ =	shalt  }
0x68: {  	_ =	shalt  }
0x69: {  	_ =	shalt  }
0x6a: {  	_ =	shalt  }
0x6b: {  	_ =	shalt  }
0x6c: {  	_ =	shalt  }
0x6d: {  	_ =	shalt  }
0x6e: {  	_ =	shalt  }
0x6f: {  	_ =	shalt  }
0x70: {  	_ =	shalt  }
0x71: {  	_ =	shalt  }
0x72: {  	_ =	shalt  }
0x73: {  	_ =	shalt  }
0x74: {  	_ =	shalt  }
0x75: {  	_ =	shalt  }
0x76: {  	_ =	shalt  }
0x77: {  	_ =	shalt  }
0x78: {  	_ =	shalt  }
0x79: {  	_ =	shalt  }
0x7a: {  	_ =	shalt  }
0x7b: {  	_ =	shalt  }
0x7c: {  	_ =	shalt  }
0x7d: {  	_ =	shalt  }
0x7e: {  	_ =	shalt  }
0x7f: {  	_ =	shalt  }
0x80: {  	_ =	shalt  }
0x81: {  	_ =	shalt  }
0x82: {  	_ =	shalt  }
0x83: {  	_ =	shalt  }
0x84: {  	_ =	shalt  }
0x85: {  	_ =	shalt  }
0x86: {  	_ =	shalt  }
0x87: {  	_ =	shalt  }
.Lfunc_end0:
.L_simem_size_0:
called_computation_lowered:
.L_overlay_start_0:
0x88: {  	s2 =	sld [smem:$0x3FD9]  }
0x89: {  	s3 =	sld [smem:$0x3FFE];
	_ =	sdelay $0x1  }
0x8a: {  	s1 =	srdreg.scid  }
0x8b: {  	s0 =	sand.u32 $0x1, s1  }
0x8c: {  	s17 =	sshll.u32 s0, $0xA;
	s2 =	sadd.s32 s3, s2  }
0x8d: {  	s2 =	sadd.s32 s2, s17  }
0x8e: {  	[smem:$0x3FA7] =	sst s2  }
0x8f: {  	_ = 	snop  }
0x90: {  	s2 =	sld [smem:$0x3FC9];
	(tm) =	ssettm $0x1  }
0x91: {  	s18 =	sld [smem:$0x3FFB];
	_ =	sdelay $0x3  }
0x92: {  	_ =	strace s18  }
0x93: {  	s3 =	sld [smem:$0x3FFC];
	_ =	sdelay $0x3  }
0x94: {  	_ =	strace s3  }
0x95: {  	s3 =	sld [smem:$0x3FFD];
	_ =	sdelay $0x3  }
0x96: {  	_ =	strace s3  }
0x97: {  	_ =	strace $0x8FFFFFFF  }
0x98: {  	s19 =	sld [smem:$0x3FDB];
	_ =	sdelay $0x1  }
0x99: {  	s4 =	simm.s32 $_scs_section_size  }
0x9a: {  	s5 =	simm.s32 $_size__tile_overlayer_lowered;
	s6 =	simm.s32 $_tile_overlayer_lowered  }
0x9b: {  	s22 =	simm.s32 $0x1BFF;
	s21 =	sshll.u32 s6, $0x1;
	s3 =	sadd.s32 s4, s19  }
0x9c: {  	s7 =	simm.s32 $0x0;
	s20 =	sshll.u32 s5, $0x1;
	s5 =	sadd.s32 s21, s3  }
0x9d: {  	[timem:s7], [sflag:s22] =	dma.local [hbm:s5], s20  }
0x9e: {  	_ =	swait.ge [sflag:s22], s20  }
0x9f: {  	s4 =	ssub.s32 $0x0, s20;
	[sflag:s22] =	ssyncset.done $0x0  }
0xa0: {  	[sflag:s22] =	ssyncadd.s32 s4;
	_ =	sdelay $0x1  }
0xa1: {  	s23 =	simm.s32 $0x1B8B  }
0xa2: {  	_ =	swait.ge [sflag:s23], $0x1  }
0xa3: {  	[sflag:s23] =	ssyncset.done $0x0  }
0xa4: {  	s25 =	simm.s32 $0x1B8E;
	s24 =	sld [smem:$0x3FFE];
	[sflag:s23] =	ssyncadd.s32 $0xFFFFFFFF  }
0xa5: {  	s26 =	simm.s32 $execute0_lowered;
	[smem:$0x3FD2] =	sst s25  }
0xa6: {  	s5 =	sshll.u32 s26, $0x1;
	_ =	strace $0x80000046;
	[dreg:$0x1] =	wrdreg $0xFFFFFFFF  }
0xa7: {  	s28 =	simm.s32 $_size_execute0_lowered;
	s3 =	sadd.s32 s3, s5;
	[dreg:$0x0] =	wrdreg $0x0  }
0xa8: {  	s5 =	sshll.u32 s28, $0x1;
	[dreg:$0x2] =	wrdreg s3  }
0xa9: {  	[dreg:$0x3] =	wrdreg s5  }
0xaa: {  	[dreg:$0x4] =	wrdreg $0xC0  }
0xab: {  	_ =	task [dreg:s7], $0x5FFFF  }
0xac: {  	[dreg:$0x1] =	wrdreg $0xFFFFFFFF  }
0xad: {  	[dreg:$0x0] =	wrdreg $0x60  }
0xae: {  	[dreg:$0x2] =	wrdreg s2  }
0xaf: {  	[dreg:$0x3] =	wrdreg s24  }
0xb0: {  	[dreg:$0x4] =	wrdreg $0x60000  }
0xb1: {  	[dreg:$0x5] =	wrdreg $0x9  }
0xb2: {  	_ =	task.clear_ibuf [dreg:s7], $0x6FFFF;
	_ =	strace $0x90000046  }
0xb3: {  	s29 =	simm.s32 $0x9;
	_ =	strace $0x80000048  }
0xb4: {  	_ =	swait.ge [sflag:s29], $0x1  }
0xb5: {  	[sflag:s29] =	ssyncadd.s32 $0xFFFFFFFF  }
0xb6: {  	_ =	strace $0x90000048  }
0xb7: {  	_ =	sfence  }
0xb8: {  	s30 =	sld [smem:$0x0];
	_ =	sdelay $0x2  }
0xb9: {  	s31 =	sshll.u32 s1, $0xD;
	s1 =	sshrl.u32 s1, $0x2  }
0xba: {  	s3 =	sand.u32 $0x4000, s31;
	s1 =	sadd.s32 s1, s30  }
0xbb: {  	s0 =	sor.u32 s3, s0;
	s1 =	sshll.u32 s1, $0x11  }
0xbc: {  	s0 =	sor.u32 s1, s0  }
0xbd: {  	s0 =	sadd.s32 $0x8F2B, s0  }
0xbe: {  	[sflag:s0] =	ssyncadd.remote.s32 $0x1  }
0xbf: {  	_ =	sfence.sel $0xFFFF  }
0xc0: {  	[dreg:$0x0] =	wrdreg $0xFFFFFFFF;
	(pc) =	sbr.abs _section_cstart, $3  }
0xc1: {  	[dreg:$0x1] =	wrdreg $0xFFFFFFFF  }
0xc2: {  	_ =	task.clear_ibuf [dreg:s7], $0x2FFFF;
	_ =	strace $0x9FFFFFFF  }
0xc3: {  	(tm) =	ssettm $0x7FFFFFFF  }
tec
execute0_lowered:
.L_overlay_start_1:
0x0: {  	(tag) =	ssettag $0x1  }
0x1: {  	s1 =	rddreg [dreg:$0x0]  }
0x2: {  	s8 =	rddreg [dreg:$0x1]  }
0x3: {  	s0 =	srdreg.scid;
	s3 =	rddreg [dreg:$0x2]  }
0x4: {  	s4 =	simm.s32 $0x0;
	s16 =	simm.s32 $0x1C00;
	s17 =	simm.s32 $0x28  }
0x5: {  	s18 =	simm.s32 $0x3800;
	s19 =	simm.s32 $0x4C00;
	s20 =	simm.s32 $0x1  }
0x6: {  	s21 =	simm.s32 $0x2;
	s6 =	sand.u32 $0x1, s0;
	s0 =	stileid.u32  }
0x7: {  	s22 =	simm.s32 $0x1880;
	s23 =	simm.s32 $0x3400;
	s5 =	smul.u32 $0x2700, s0  }
0x8: {  	s24 =	simm.s32 $0x3480;
	[smem:$0x7FF] =	sst s4;
	s9 =	smul.u32 $0x27100, s6  }
0x9: {  	s15 =	sadd.s32 $0x138000, s3;
	s2 =	sshll.u32 s6, $0x4;
	s10 =	smul.u32 $0x4E000, s0  }
0xa: {  	s6 =	ssub.s32 $0x2, s6;
	s31 =	sshll.u32 s0, $0x6;
	p0 =	sne.s32 s0, $0xF  }
0xb: {  	s2 =	sor.u32 s0, s2;
	s30 =	sshrl.u32 s6, $0x1;
	s15 =	sshrl.u32 @!p0 s15, $0x3  }
0xc: {  	s7 =	smul.u32 $0x1180, s2;
	s2 =	rddreg [dreg:$0x3];
	_ =	strace $0x80000047  }
0xd: {  	s29 =	sadd.s32 s5, s8;
	s12 =	sadd.s32 s9, s8;
	s10 =	sshrl.u32 s10, $0x2  }
0xe: {  	s13 =	ssub.s32 s6, s30;
	s14 =	sadd.s32 s10, s3;
	s6 =	sadd.s32 $0x49E00, s29  }
0xf: {  	s11 =	sadd.s32 s7, s8;
	s7 =	sor.u32 $0x1C03, s31;
	s8 =	sadd.s32 $0x70E00, s8  }
0x10: {  	s9 =	sadd.s32 $0x3E00, s11;
	s10 =	sadd.s32 $0x26E00, s11;
	s11 =	sadd.s32 $0x71000, s12  }
0x11: {  	s12 =	smax.u32 s13, $0x1;
	s13 =	sshrl.u32 s14, $0x3;
	s14 =	simm.s32 $0x3  }
.LBB2_1:
0x12: {  	[spmem:s13], [sflag:s7] =	dma.local [hbm:s6], $0x2700  }
0x13: {  	_ =	swait.ge [sflag:s14], $0x2700  }
0x14: {  	[sflag:s14] =	ssyncset.done $0x0  }
0x15: {  	s25 =	simm.s32 @!p0 $0x3;
	[sflag:s14] =	ssyncadd.s32 $0xFFFFD900  }
0x16: {  	[spmem:s15], [sflag:s7] =	dma.local @!p0 [hbm:s8], $0x100  }
0x17: {  	_ =	swait.ge @!p0 [sflag:s25], $0x100  }
0x18: {  	[sflag:s25] =	ssyncset.done @!p0 $0x0  }
0x19: {  	[sflag:s25] =	ssyncadd.s32 @!p0 $0xFFFFFF00  }
0x1a: {  	s25 =	simm.s32 $0x0;
	[bflag:$0x0] =	sbarrier.arrive $0xFFFF  }
.LBB2_2:
0x1b: {  	s26 =	smul.u32 $0x380, s25;
	_ =	sdelay $0x1  }
0x1c: {  	s29 =	simm.s32 $0x0;
	s28 =	sadd.s32 s26, s9  }
0x1d: {  	[tilespmem:s29], [sflag:$0x3] =	stream.linear.gather [hbm4b:s28+s29], $0x1900, $0x38;
	[tilespmem:$0x19880] =	vst v63  }
0x1e: {  	_ =	swait.ge [sflag:s14], $0x1900  }
0x1f: {  	[sflag:s14] =	ssyncset.done $0x0  }
0x20: {  	s26 =	sadd.s32 s26, s10;
	[sflag:s14] =	ssyncadd.s32 $0xFFFFE700  }
0x21: {  	[tilespmem:s16], [sflag:$0x3] =	stream.linear.gather [hbm4b:s26+s29], $0x1900, $0x38;
	[tilespmem:$0x19880] =	vst v63  }
0x22: {  	_ =	swait.ge [sflag:s14], $0x1900  }
0x23: {  	[sflag:s14] =	ssyncset.done $0x0  }
0x24: {  	[sflag:s14] =	ssyncadd.s32 $0xFFFFE700  }
0x25: {  	[tilespmem:s18], [sflag:$0x1] =	stream.indirect.gather [hbm4b:s1+s17], $0x80, s29, s17, $0xb8;
	[tilespmem:$0x19880] =	vst v63  }
0x26: {  	s31 =	simm.s32 $0x80  }
0x27: {  	[tilespmem:s19], [sflag:$0x2] =	stream.indirect.gather [hbm4b:s1+s17], $0x80, s31, s17, $0xb8;
	[tilespmem:$0x19880] =	vst v63  }
0x28: {  	_ =	swait.ge [sflag:s20], $0x1400  }
0x29: {  	[sflag:s20] =	ssyncset.done $0x0  }
0x2a: {  	s29 =	simm.s32 $0x1C00;
	[sflag:s20] =	ssyncadd.s32 $0xFFFFEC00  }
0x2b: {  	[spmem:s3] =	stream.indirect.scatter.add.f32 [tilespmem:s18], [sflag:$0x3], $0x80, s29, s17, $0xb8;
	[tilespmem:$0x19880] =	vst v63  }
0x2c: {  	_ =	swait.ge [sflag:s14], $0x1400  }
0x2d: {  	[sflag:s14] =	ssyncset.done $0x0  }
0x2e: {  	s30 =	simm.s32 $0x100;
	[sflag:s14] =	ssyncadd.s32 $0xFFFFEC00  }
0x2f: {  	[tilespmem:s18], [sflag:$0x1] =	stream.indirect.gather [hbm4b:s1+s17], $0x80, s30, s17, $0xb8;
	[tilespmem:$0x19880] =	vst v63  }
0x30: {  	_ =	swait.ge [sflag:s21], $0x1400  }
0x31: {  	[sflag:s21] =	ssyncset.done $0x0  }
0x32: {  	s31 =	simm.s32 $0x1C80;
	[sflag:s21] =	ssyncadd.s32 $0xFFFFEC00  }
0x33: {  	[spmem:s3] =	stream.indirect.scatter.add.f32 [tilespmem:s19], [sflag:$0x3], $0x80, s31, s17, $0xb8;
	[tilespmem:$0x19880] =	vst v63  }
0x34: {  	_ =	swait.ge [sflag:s14], $0x1400  }
0x35: {  	s28 =	simm.s32 $0x800;
	s26 =	simm.s32 $0x100;
	[sflag:s14] =	ssyncset.done $0x0  }
.LBB2_3:
0x36: {  	s29 =	sadd.s32 $0x80, s26  }
0x37: {  	[sflag:s14] =	ssyncadd.s32 $0xFFFFEC00;
	s30 =	smov.u32 s28;
	s31 =	sadd.s32 $0x400, s28  }
0x38: {  	[tilespmem:s19], [sflag:$0x2] =	stream.indirect.gather [hbm4b:s1+s17], $0x80, s29, s17, $0xb8;
	[tilespmem:$0x19880] =	vst v63  }
0x39: {  	p1 =	sne.s32 s28, $0x5C00;
	_ =	swait.ge [sflag:s20], $0x1400  }
0x3a: {  	[sflag:s20] =	ssyncset.done $0x0  }
0x3b: {  	s28 =	sadd.s32 $0x1C00, s26;
	[sflag:s20] =	ssyncadd.s32 $0xFFFFEC00  }
0x3c: {  	[spmem:s3] =	stream.indirect.scatter.add.f32 [tilespmem:s18], [sflag:$0x3], $0x80, s28, s17, $0xb8;
	[tilespmem:$0x19880] =	vst v63  }
0x3d: {  	_ =	swait.ge [sflag:s14], $0x1400  }
0x3e: {  	[sflag:s14] =	ssyncset.done $0x0  }
0x3f: {  	s28 =	sadd.s32 $0x100, s26;
	[sflag:s14] =	ssyncadd.s32 $0xFFFFEC00  }
0x40: {  	[tilespmem:s18], [sflag:$0x1] =	stream.indirect.gather [hbm4b:s1+s17], $0x80, s28, s17, $0xb8;
	[tilespmem:$0x19880] =	vst v63  }
0x41: {  	_ =	swait.ge [sflag:s21], $0x1400  }
.Ltmp0:
0x42: {  	[sflag:s21] =	ssyncset.done $0x0;
	(pc) =	sbr.rel @p1 .LBB2_3-.Ltmp0, $4  }
0x43: {  	s26 =	sadd.s32 $0x1C80, s26;
	[sflag:s21] =	ssyncadd.s32 $0xFFFFEC00  }
0x44: {  	[spmem:s3] =	stream.indirect.scatter.add.f32 [tilespmem:s19], [sflag:$0x3], $0x80, s26, s17, $0xb8;
	[tilespmem:$0x19880] =	vst v63  }
0x45: {  	_ =	swait.ge [sflag:s14], $0x1400  }
0x46: {  	s28 =	smov.u32 s31;
	s26 =	sshra.s32 s30, $0x2;
	[sflag:s14] =	ssyncset.done $0x0  }
0x47: {  	s28 =	sadd.s32 $0x80, s26;
	[sflag:s14] =	ssyncadd.s32 $0xFFFFEC00  }
0x48: {  	[tilespmem:s19], [sflag:$0x2] =	stream.indirect.gather [hbm4b:s1+s17], $0x80, s28, s17, $0xb8;
	[tilespmem:$0x19880] =	vst v63  }
0x49: {  	_ =	swait.ge [sflag:s20], $0x1400  }
0x4a: {  	[sflag:s20] =	ssyncset.done $0x0  }
0x4b: {  	s29 =	sadd.s32 $0x1C00, s26;
	[sflag:s20] =	ssyncadd.s32 $0xFFFFEC00  }
0x4c: {  	[spmem:s3] =	stream.indirect.scatter.add.f32 [tilespmem:s18], [sflag:$0x3], $0x80, s29, s17, $0xb8;
	[tilespmem:$0x19880] =	vst v63  }
0x4d: {  	_ =	swait.ge [sflag:s14], $0x1400  }
0x4e: {  	[sflag:s14] =	ssyncset.done $0x0  }
0x4f: {  	s30 =	sadd.s32 $0x100, s26;
	[sflag:s14] =	ssyncadd.s32 $0xFFFFEC00  }
0x50: {  	[tilespmem:s18], [sflag:$0x1] =	stream.indirect.gather [hbm4b:s1+s17], $0x80, s30, s17, $0xb8;
	[tilespmem:$0x19880] =	vst v63  }
0x51: {  	_ =	swait.ge [sflag:s21], $0x1400  }
0x52: {  	[sflag:s21] =	ssyncset.done $0x0  }
0x53: {  	s31 =	sadd.s32 $0x1C80, s26;
	[sflag:s21] =	ssyncadd.s32 $0xFFFFEC00  }
0x54: {  	[spmem:s3] =	stream.indirect.scatter.add.f32 [tilespmem:s19], [sflag:$0x3], $0x80, s31, s17, $0xb8;
	[tilespmem:$0x19880] =	vst v63  }
0x55: {  	_ =	swait.ge [sflag:s14], $0x1400  }
0x56: {  	[sflag:s14] =	ssyncset.done $0x0  }
0x57: {  	[sflag:s14] =	ssyncadd.s32 $0xFFFFEC00  }
0x58: {  	[tilespmem:s19], [sflag:$0x2] =	stream.indirect.gather [hbm4b:s1+s17], $0x80, s22, s17, $0xb8;
	[tilespmem:$0x19880] =	vst v63  }
0x59: {  	_ =	swait.ge [sflag:s20], $0x1400  }
0x5a: {  	[sflag:s20] =	ssyncset.done $0x0  }
0x5b: {  	[sflag:s20] =	ssyncadd.s32 $0xFFFFEC00  }
0x5c: {  	[spmem:s3] =	stream.indirect.scatter.add.f32 [tilespmem:s18], [sflag:$0x3], $0x80, s23, s17, $0xb8;
	[tilespmem:$0x19880] =	vst v63  }
0x5d: {  	_ =	swait.ge [sflag:s14], $0x1400  }
0x5e: {  	[sflag:s14] =	ssyncset.done $0x0  }
0x5f: {  	[sflag:s14] =	ssyncadd.s32 $0xFFFFEC00  }
0x60: {  	s25 =	sadd.s32 $0x1, s25;
	_ =	swait.ge [sflag:s21], $0x1400  }
0x61: {  	p1 =	sne.s32 s25, $0x5;
	[sflag:s21] =	ssyncset.done $0x0  }
.Ltmp1:
0x62: {  	[sflag:s21] =	ssyncadd.s32 $0xFFFFEC00;
	(pc) =	sbr.rel @p1 .LBB2_2-.Ltmp1, $4  }
0x63: {  	[spmem:s3] =	stream.indirect.scatter.add.f32 [tilespmem:s19], [sflag:$0x3], $0x80, s24, s17, $0xb8;
	[tilespmem:$0x19880] =	vst v63  }
0x64: {  	_ =	swait.ge [sflag:s14], $0x1400  }
0x65: {  	[sflag:s14] =	ssyncset.done $0x0  }
0x66: {  	[sflag:s14] =	ssyncadd.s32 $0xFFFFEC00  }
0x67: {  	[bflag:$0x0] =	sbarrier.arrive $0xFFFF;
	s25 =	sadd.s32 s5, s11  }
0x68: {  	[hbm:s25], [sflag:s7] =	dma.local [spmem:s13], $0x2700  }
0x69: {  	_ =	swait.ge [sflag:s14], $0x2700  }
0x6a: {  	s4 =	sadd.s32 $0x1, s4;
	[sflag:s14] =	ssyncset.done $0x0  }
0x6b: {  	s25 =	sadd.s32 @!p0 $0x27000, s11;
	p1 =	sne.s32 s4, s12;
	[sflag:s14] =	ssyncadd.s32 $0xFFFFD900  }
0x6c: {  	[hbm:s25], [sflag:s7] =	dma.local @!p0 [spmem:s15], $0x100  }
.Ltmp2:
0x6d: {  	_ = 	snop;
	(pc) =	sbr.rel @p1 .LBB2_1-.Ltmp2, $4  }
0x6e: {  	s25 =	simm.s32 @!p0 $0x3  }
0x6f: {  	_ =	swait.ge @!p0 [sflag:s25], $0x100  }
0x70: {  	[sflag:s25] =	ssyncset.done @!p0 $0x0  }
0x71: {  	[sflag:s25] =	ssyncadd.s32 @!p0 $0xFFFFFF00  }
0x72: {  	_ =	sfence.sel $0x180000  }
0x73: {  	[bflag:$0x0] =	sbarrier.arrive $0xFFFF  }
0x74: {  	p0 =	sne.s32 s0, $0x0;
	_ =	strace $0x90000047  }
0x75: {  	s0 =	sadd.s32 @!p0 $0x100000, s2;
	[bflag:$0x2] =	sbarrier.arrive $0xFFFF  }
0x76: {  	[sflag:s0] =	ssyncadd.tile.s32 @!p0 $0x1;
	_ =	shalt  }
.Lfunc_end2:
_tile_overlayer_lowered:
.L_overlay_start_2:
0x77: {  	(tag) =	ssettag $0x2  }
0x78: {  	s0 =	rddreg [dreg:$0x0];
	s2 =	stileid.u32  }
0x79: {  	s1 =	rddreg [dreg:$0x1];
	p0 =	sne.s32 s2, $0x0  }
0x7a: {  	s3 =	rddreg [dreg:$0x2];
	[bflag:$0x3] =	sbarrier.arrive $0xFFFF;
	s2 =	simm.s32 @!p0 $0x1C03  }
0x7b: {  	[timem:s3], [sflag:s2] =	dma.local @!p0 [hbm:s0], s1  }
0x7c: {  	s0 =	simm.s32 @!p0 $0x3  }
0x7d: {  	_ =	swait.ge @!p0 [sflag:s0], s1  }
0x7e: {  	s1 =	ssub.s32 @!p0 $0x0, s1;
	[sflag:s0] =	ssyncset.done @!p0 $0x0  }
0x7f: {  	[sflag:s0] =	ssyncadd.s32 @!p0 s1  }
0x80: {  	[bflag:$0x3] =	sbarrier.arrive $0xFFFF  }
0x81: {  	_ =	shalt  }

</sc_bundles>
